<compile_context>
chip_gen: v7x
topology: tpu7x:2x2x1
jax: 0.10.2.dev20260603
libtpu: 0.0.44.dev20260713+nightly
codegen_flags: <defaults>
</compile_context>

<pallas_src>
import functools
import jax
import jax.numpy as jnp
from jax import lax
from jax.experimental import pallas as pl
from jax.experimental.pallas import tpu as pltpu
from jax.experimental.pallas import tpu_sc as plsc

N = 5000
NCH = 313
NPAD = NCH * 16
CAP = NPAD + 16
K_OUT = 100
SCORE_T = 0.05
NMS_T = 0.5
T0 = 0.97
TSTEP = 0.05
NEG = -1e9
NT = 16
CPT = 20
SLOT = 336


def _body(boxes_hbm, scores_hbm, out_hbm,
          s_v, bx_v, cidx_v, cx1_v, cy1_v, cx2_v, cy2_v, cs_v, ca_v,
          ks_v, cnt_v, lidx_v, lall_v, pfx_v, mx_v, out_v, ks_sh, cnt_sh,
          idx_sh):
    cid = lax.axis_index("c")
    sid = lax.axis_index("s")

    @pl.when(cid == 0)
    def _():
        iota = lax.iota(jnp.int32, 16)
        zeros_i = jnp.zeros((16,), jnp.int32)
        zeros_f = jnp.zeros((16,), jnp.float32)

        s_v[pl.ds(NPAD - 16, 16)] = zeros_f + jnp.float32(NEG)
        pltpu.sync_copy(scores_hbm, s_v.at[pl.ds(0, N)])
        pltpu.sync_copy(boxes_hbm, bx_v.at[pl.ds(0, 4 * N)])
        bx_v[pl.ds(4 * N, 16)] = zeros_f

        def compact_round(t):
            def compact_chunk(i, base_vec):
                sv = s_v[pl.ds(i * 16, 16)]
                m = sv > t
                mi = m.astype(jnp.int32)
                pos = jnp.maximum(base_vec + plsc.cumsum(mi) - 1, 0)
                plsc.store_scatter(lidx_v, [pos], i * 16 + iota, mask=m)
                return base_vec + plsc.all_reduce_population_count(m)

            lo = sid * CPT
            hi = jnp.minimum(jnp.int32(NCH), lo + CPT)
            base_vec = lax.fori_loop(lo, hi, compact_chunk, zeros_i)
            pltpu.sync_copy(lidx_v, idx_sh.at[pl.ds(sid * SLOT, SLOT)])
            cnt_v[pl.ds(0, 16)] = base_vec
            pltpu.sync_copy(cnt_v.at[pl.ds(0, 16)],
                            cnt_sh.at[pl.ds(sid * 16, 16)])
            plsc.subcore_barrier()
            pltpu.sync_copy(idx_sh, lall_v)
            pltpu.sync_copy(cnt_sh.at[pl.ds(0, NT * 16)],
                            cnt_v.at[pl.ds(16, NT * 16)])

            def getc(tt, cv):
                return jnp.where(iota == tt, cnt_v[pl.ds(16 + tt * 16, 16)], cv)

            cvec = lax.fori_loop(0, NT, getc, zeros_i)
            incl = plsc.cumsum(cvec)
            k = jnp.max(incl)
            pfx_v[pl.ds(0, 16)] = incl - cvec

            def asm_tile(tt, _):
                psplat = plsc.load_gather(pfx_v, [zeros_i + tt])
                ct = jnp.max(jnp.where(iota == tt, cvec, 0))

                def asm_chunk(u, _2):
                    vals = lall_v[pl.ds(tt * SLOT + u * 16, 16)]
                    ppos = jnp.minimum(psplat + u * 16 + iota,
                                       jnp.int32(CAP - 1))
                    plsc.store_scatter(cidx_v, [ppos], vals,
                                       mask=(u * 16 + iota) < ct)
                    return 0

                lax.fori_loop(0, (ct + 15) // 16, asm_chunk, 0)
                return 0

            lax.fori_loop(0, NT, asm_tile, 0)
            plsc.store_scatter(cidx_v, [k + iota], zeros_i + N)
            nck = (k + 15) // 16

            def gather_chunk(c, _):
                o = c * 16
                ci = cidx_v[pl.ds(o, 16)]
                c4 = ci * 4
                x1 = plsc.load_gather(bx_v, [c4])
                y1 = plsc.load_gather(bx_v, [c4 + 1])
                x2 = plsc.load_gather(bx_v, [c4 + 2])
                y2 = plsc.load_gather(bx_v, [c4 + 3])
                sc = plsc.load_gather(s_v, [ci])
                cx1_v[pl.ds(o, 16)] = x1
                cy1_v[pl.ds(o, 16)] = y1
                cx2_v[pl.ds(o, 16)] = x2
                cy2_v[pl.ds(o, 16)] = y2
                cs_v[pl.ds(o, 16)] = sc
                ca_v[pl.ds(o, 16)] = (x2 - x1) * (y2 - y1)
                return 0

            lax.fori_loop(0, nck, gather_chunk, 0)

            kp = nck * 16

            def supp_chunk(z, nsurv):
                c = sid + z * NT
                o = c * 16
                x1 = cx1_v[pl.ds(o, 16)]
                y1 = cy1_v[pl.ds(o, 16)]
                x2 = cx2_v[pl.ds(o, 16)]
                y2 = cy2_v[pl.ds(o, 16)]
                si = cs_v[pl.ds(o, 16)]
                ai = ca_v[pl.ds(o, 16)]
                ii = cidx_v[pl.ds(o, 16)]

                def jbody(j, sup):
                    jb = zeros_i + j
                    xj1 = plsc.load_gather(cx1_v, [jb])
                    yj1 = plsc.load_gather(cy1_v, [jb])
                    xj2 = plsc.load_gather(cx2_v, [jb])
                    yj2 = plsc.load_gather(cy2_v, [jb])
                    sj = plsc.load_gather(cs_v, [jb])
                    aj = plsc.load_gather(ca_v, [jb])
                    ij = plsc.load_gather(cidx_v, [jb])
                    w = jnp.maximum(jnp.minimum(x2, xj2) - jnp.maximum(x1, xj1), 0.0)
                    h = jnp.maximum(jnp.minimum(y2, yj2) - jnp.maximum(y1, yj1), 0.0)
                    inter = w * h
                    iou = inter / (aj + ai - inter + 1e-9)
                    prio = (sj > si) | ((sj == si) & (ij < ii))
                    return sup | ((iou > NMS_T) & prio)

                sup = lax.fori_loop(0, kp, jbody, jnp.zeros((16,), jnp.bool_))
                keep = jnp.logical_and(jnp.logical_not(sup), si > SCORE_T)
                ks = jnp.where(keep, si, jnp.float32(NEG))
                ks_v[pl.ds(o, 16)] = ks
                pltpu.sync_copy(ks_v.at[pl.ds(o, 16)], ks_sh.at[pl.ds(o, 16)])
                return nsurv + jnp.sum(keep.astype(jnp.int32))

            nz = jnp.maximum(0, (nck - sid + NT - 1) // NT)
            nsurv_loc = lax.fori_loop(0, nz, supp_chunk, jnp.int32(0))

            cnt_v[pl.ds(0, 16)] = zeros_i + nsurv_loc
            pltpu.sync_copy(cnt_v.at[pl.ds(0, 16)],
                            cnt_sh.at[pl.ds(256 + sid * 16, 16)])
            plsc.subcore_barrier()
            pltpu.sync_copy(cnt_sh.at[pl.ds(256, NT * 16)],
                            cnt_v.at[pl.ds(16, NT * 16)])

            def sum_counts(tt, acc):
                return acc + cnt_v[pl.ds(16 + tt * 16, 16)]

            nsurv = jnp.max(lax.fori_loop(0, NT, sum_counts, zeros_i))
            plsc.subcore_barrier()
            return k, nck, nsurv

        def cond(carry):
            t_next, t_used, nck, nsurv = carry
            return jnp.logical_and(nsurv < K_OUT, t_used > SCORE_T)

        def round_fn(carry):
            t_next, _, _, _ = carry
            _, nck, nsurv = compact_round(t_next)
            nt = jnp.maximum(t_next - jnp.float32(TSTEP), jnp.float32(SCORE_T))
            return nt, t_next, nck, nsurv

        init = (jnp.float32(T0), jnp.float32(2.0), jnp.int32(0), jnp.int32(-1))
        _, _, nck, _ = lax.while_loop(cond, round_fn, init)

        @pl.when(sid == 0)
        def _():
            pltpu.sync_copy(ks_sh, ks_v)
            iota4 = jnp.minimum(iota, 3)

            def _emit_general():

                ngrp = (nck + 15) // 16

                def init_grp(g, _):
                    def init_chunk(u, mx):
                        c = g * 16 + u
                        inb = c < nck
                        cm = jnp.where(
                            inb, jnp.max(ks_v[pl.ds(jnp.minimum(c, CAP // 16 - 1) * 16, 16)]),
                            jnp.float32(NEG))
                        return jnp.where(iota == u, cm, mx)

                    mx = lax.fori_loop(0, 16, init_chunk, zeros_f + jnp.float32(NEG))
                    mx_v[pl.ds(g * 16, 16)] = mx
                    return 0

                lax.fori_loop(0, ngrp, init_grp, 0)

                def emit_row(r, _):
                    def gmax(g, mm):
                        return jnp.maximum(mm, jnp.max(mx_v[pl.ds(g * 16, 16)]))

                    m = lax.fori_loop(0, ngrp, gmax, jnp.float32(NEG))
                    valid = m > jnp.float32(-1e8)

                    def gsel(g, gs):
                        mx = mx_v[pl.ds(g * 16, 16)]
                        hit = jnp.max(mx) == m
                        return jnp.minimum(gs, jnp.where(hit, g, jnp.int32(1 << 20)))

                    gstar = lax.fori_loop(0, ngrp, gsel, jnp.int32(1 << 20))
                    gstar = jnp.minimum(gstar, ngrp - 1)
                    mx = mx_v[pl.ds(gstar * 16, 16)]
                    ustar = jnp.min(jnp.where(mx == m, iota, jnp.int32(1 << 20)))
                    cstar = jnp.minimum(gstar * 16 + ustar, CAP // 16 - 1)

                    o = cstar * 16
                    v = ks_v[pl.ds(o, 16)]
                    ci = cidx_v[pl.ds(o, 16)]
                    sel = jnp.min(jnp.where(v == m, ci, jnp.int32(1 << 30)))
                    hit = jnp.logical_and(v == m, ci == sel)
                    nv = jnp.where(hit, jnp.float32(NEG), v)
                    ks_v[pl.ds(o, 16)] = nv
                    newm = jnp.max(nv)
                    grp = jnp.where(iota == ustar, newm, mx_v[pl.ds(gstar * 16, 16)])
                    mx_v[pl.ds(gstar * 16, 16)] = grp

                    src = jnp.where(valid, sel, jnp.int32(N))
                    coords = plsc.load_gather(bx_v, [src * 4 + iota4])
                    mscore = jnp.where(valid, m, jnp.float32(0.0))
                    row = jnp.where(iota < 4, coords,
                                    jnp.where(iota == 4, mscore, 0.0))
                    plsc.store_scatter(out_v, [r * 5 + iota], row, mask=iota < 5)
                    return 0

                lax.fori_loop(0, K_OUT, emit_row, 0)

            @pl.when(nck <= 16)
            def _():
                def initmax(c, mx):
                    cm = jnp.max(ks_v[pl.ds(c * 16, 16)])
                    return jnp.where(iota == c, cm, mx)

                maxes0 = lax.fori_loop(0, nck, initmax,
                                       zeros_f + jnp.float32(NEG))

                def emit_row_fast(r, maxes):
                    m = jnp.max(maxes)
                    valid = m > jnp.float32(-1e8)
                    cstar = plsc.all_reduce_ffs(maxes == m)
                    pos = cstar * 16 + iota
                    v = plsc.load_gather(ks_v, [pos])
                    ci = plsc.load_gather(cidx_v, [pos])
                    lstar = plsc.all_reduce_ffs(v == m)
                    sel = plsc.load_gather(cidx_v, [cstar * 16 + lstar])
                    nv = jnp.where(iota == lstar, jnp.float32(NEG), v)
                    plsc.store_scatter(ks_v, [pos], nv)
                    newm = jnp.max(nv)
                    maxes = jnp.where(iota == cstar, newm, maxes)
                    src = jnp.where(valid, sel, jnp.int32(N))
                    coords = plsc.load_gather(bx_v, [src * 4 + iota4])
                    mscore = jnp.where(valid, m, jnp.float32(0.0))
                    row = jnp.where(iota < 4, coords,
                                    jnp.where(iota == 4, mscore, 0.0))
                    plsc.store_scatter(out_v, [r * 5 + iota], row,
                                       mask=iota < 5)
                    return maxes

                lax.fori_loop(0, K_OUT, emit_row_fast, maxes0)

            @pl.when(nck > 16)
            def _general_path():
                _emit_general()

            pltpu.sync_copy(out_v, out_hbm)



@jax.jit
def _nms(boxes, scores):
    f = functools.partial(
        pl.kernel,
        out_type=jax.ShapeDtypeStruct((512,), jnp.float32),
        mesh=plsc.VectorSubcoreMesh(
            core_axis_name="c", subcore_axis_name="s",
            num_cores=1, num_subcores=16),
        compiler_params=pltpu.CompilerParams(needs_layout_passes=False),
        scratch_types=[
            pltpu.VMEM((NPAD,), jnp.float32),
            pltpu.VMEM((4 * N + 64,), jnp.float32),
            pltpu.VMEM((CAP,), jnp.int32),
            pltpu.VMEM((CAP,), jnp.float32),
            pltpu.VMEM((CAP,), jnp.float32),
            pltpu.VMEM((CAP,), jnp.float32),
            pltpu.VMEM((CAP,), jnp.float32),
            pltpu.VMEM((CAP,), jnp.float32),
            pltpu.VMEM((CAP,), jnp.float32),
            pltpu.VMEM((CAP,), jnp.float32),
            pltpu.VMEM((16 + NT * 16,), jnp.int32),
            pltpu.VMEM((SLOT,), jnp.int32),
            pltpu.VMEM((NT * SLOT,), jnp.int32),
            pltpu.VMEM((16,), jnp.int32),
            pltpu.VMEM((352,), jnp.float32),
            pltpu.VMEM((512,), jnp.float32),
            pltpu.VMEM_SHARED((CAP,), jnp.float32),
            pltpu.VMEM_SHARED((2 * NT * 16,), jnp.int32),
            pltpu.VMEM_SHARED((NT * SLOT,), jnp.int32),
        ],
    )(_body)
    return f(boxes, scores)


def kernel(boxes, scores):
    out = _nms(boxes.reshape(-1), scores)
    return out[:500].reshape(K_OUT, 5)

# --- scband reference (transcript-rebuilt; emitter-appended) ---
"""Pipeline reference for scband-standard-roiheads-51350628991352 (READ-ONLY COPY).

The authoritative reference and input builder live on the scoring server;
editing this copy changes nothing except your own understanding.
"""

import jax, jax.numpy as jnp
import numpy as np

SCORE_THRESH = 0.05
NMS_THRESH = 0.5
DETECTIONS_PER_IMG = 100
IMG_SIZE = 1024.0


def _pairwise_iou(a, b):
    area_a = (a[:, 2] - a[:, 0]) * (a[:, 3] - a[:, 1])
    area_b = (b[:, 2] - b[:, 0]) * (b[:, 3] - b[:, 1])
    lt = jnp.maximum(a[:, None, :2], b[None, :, :2])
    rb = jnp.minimum(a[:, None, 2:], b[None, :, 2:])
    wh = jnp.clip(rb - lt, 0.0)
    inter = wh[..., 0] * wh[..., 1]
    return inter / (area_a[:, None] + area_b[None, :] - inter + 1e-9)


def setup_inputs(seed: int = 0) -> dict:
    key = jax.random.key(seed)
    k1, k2, k3, k4 = jax.random.split(key, 4)
    N = 5000
    cx = jax.random.uniform(k1, (N,), dtype=jnp.float32) * IMG_SIZE
    cy = jax.random.uniform(k2, (N,), dtype=jnp.float32) * IMG_SIZE
    wh = 10.0 + jax.random.uniform(k3, (N, 2), dtype=jnp.float32) * 190.0
    x1 = jnp.clip(cx - wh[:, 0] / 2, 0.0, IMG_SIZE)
    y1 = jnp.clip(cy - wh[:, 1] / 2, 0.0, IMG_SIZE)
    x2 = jnp.clip(cx + wh[:, 0] / 2, 0.0, IMG_SIZE)
    y2 = jnp.clip(cy + wh[:, 1] / 2, 0.0, IMG_SIZE)
    boxes = jnp.stack([x1, y1, x2, y2], axis=1)
    scores = jax.random.uniform(k4, (N,), dtype=jnp.float32)
    return {"boxes": boxes, "scores": scores}


def reference(boxes, scores):
    # fast_rcnn_inference-style per-image box selection (class-agnostic):
    # 1) sort by score descending, 2) matrix-form (Fast) NMS: suppress any box
    # overlapping a higher-scored box with IoU > nms_thresh, 3) score threshold,
    # 4) keep top detections_per_img. Static shapes throughout for jit.
    order = jnp.argsort(-scores)
    b = jnp.take(boxes, order, axis=0)
    s = jnp.take(scores, order, axis=0)
    iou = _pairwise_iou(b, b)
    iou_upper = jnp.triu(iou, k=1)  # [j, i]: j has higher score than i
    max_overlap = jnp.max(iou_upper, axis=0)
    keep = (max_overlap <= NMS_THRESH) & (s > SCORE_THRESH)
    s_masked = jnp.where(keep, s, -1e9)
    top_scores, top_idx = jax.lax.top_k(s_masked, DETECTIONS_PER_IMG)
    det_boxes = jnp.take(b, top_idx, axis=0)
    valid = (top_scores > -1e8).astype(jnp.float32)
    det_boxes = det_boxes * valid[:, None]
    det_scores = jnp.take(s, top_idx, axis=0) * valid
    return jnp.concatenate([det_boxes, det_scores[:, None]], axis=1)  # [K, 5]

if __name__ == "__main__":
    import jax
    _d = setup_inputs()
    print(jax.jit(kernel)(*tuple(_d.values())))

</pallas_src>

<mosaic_0001>
#map = affine_map<(d0, d1) -> (0)>
module attributes {stable_mosaic.version = 14 : i64} {
  func.func @_body(%arg0: i32, %arg1: i32, %arg2: memref<20000xf32, #tpu.memory_space<hbm>>, %arg3: memref<5000xf32, #tpu.memory_space<hbm>>, %arg4: memref<512xf32, #tpu.memory_space<hbm>>, %arg5: memref<5008xf32, #tpu.memory_space<vmem>>, %arg6: memref<20064xf32, #tpu.memory_space<vmem>>, %arg7: memref<5024xi32, #tpu.memory_space<vmem>>, %arg8: memref<5024xf32, #tpu.memory_space<vmem>>, %arg9: memref<5024xf32, #tpu.memory_space<vmem>>, %arg10: memref<5024xf32, #tpu.memory_space<vmem>>, %arg11: memref<5024xf32, #tpu.memory_space<vmem>>, %arg12: memref<5024xf32, #tpu.memory_space<vmem>>, %arg13: memref<5024xf32, #tpu.memory_space<vmem>>, %arg14: memref<5024xf32, #tpu.memory_space<vmem>>, %arg15: memref<272xi32, #tpu.memory_space<vmem>>, %arg16: memref<336xi32, #tpu.memory_space<vmem>>, %arg17: memref<5376xi32, #tpu.memory_space<vmem>>, %arg18: memref<16xi32, #tpu.memory_space<vmem>>, %arg19: memref<352xf32, #tpu.memory_space<vmem>>, %arg20: memref<512xf32, #tpu.memory_space<vmem>>, %arg21: memref<5024xf32, #tpu.memory_space<vmem_shared>>, %arg22: memref<512xi32, #tpu.memory_space<vmem_shared>>, %arg23: memref<5376xi32, #tpu.memory_space<vmem_shared>>) attributes {dimension_semantics = [#tpu.dimension_semantics<core_parallel>, #tpu.dimension_semantics<subcore_parallel>], iteration_bounds = array<i64: 1, 16>, scalar_prefetch = 0 : i64, scratch_operands = 19 : i64, tpu.core_type = #tpu.core_type<sc_vector_subcore>, window_params = [{transform_indices = #map}, {transform_indices = #map}, {transform_indices = #map}]} {
    %eq3A = arith.constant 0 : i32
    %eq3A_0 = arith.cmpi eq, %arg0, %eq3A : i32
    %convert_element_type3A = arith.extui %eq3A_0 : i1 to i32
    %cond3A = arith.constant 0 : i32
    %cond3A_1 = arith.cmpi ne, %convert_element_type3A, %cond3A : i32
    scf.if %cond3A_1 {
      %iota3A = tpu.iota {dimensions = array<i32: 0>} : vector<16xi32>
      %broadcast_in_dim3A = arith.constant 0 : i32
      %broadcast_in_dim3A_2 = vector.broadcast %broadcast_in_dim3A : i32 to vector<16xi32>
      %broadcast_in_dim3A_3 = arith.constant 0.000000e+00 : f32
      %broadcast_in_dim3A_4 = vector.broadcast %broadcast_in_dim3A_3 : f32 to vector<16xf32>
      %add3A = arith.constant -1.000000e+09 : f32
      %add3A_5 = vector.broadcast %add3A : f32 to vector<16xf32>
      %add3A_6 = arith.addf %broadcast_in_dim3A_4, %add3A_5 : vector<16xf32>
      %swap3A = arith.constant 4992 : index
      %swap3A_7 = tpu.vector_load %arg5[%swap3A] {strides = array<i32>} : memref<5008xf32, #tpu.memory_space<vmem>>, vector<16xf32>,
      tpu.vector_store %arg5[%swap3A], %add3A_6 {strides = array<i32>} : memref<5008xf32, #tpu.memory_space<vmem>>, vector<16xf32>,
      "tpu.region"() ({
        %run_scoped3A = tpu.sem_alloc : memref<!tpu.dma_semaphore, #tpu.memory_space<semaphore_mem>>
        %dma_start3A = arith.constant 0 : i32
        %dma_start3A_19 = tpu.memref_slice %arg5[%dma_start3A] : memref<5008xf32, #tpu.memory_space<vmem>> -> memref<5000xf32, #tpu.memory_space<vmem>>
        %dma_start3A_20 = arith.constant 0 : i32
        %dma_start3A_21 = tpu.memref_slice %arg5[%dma_start3A_20] : memref<5008xf32, #tpu.memory_space<vmem>> -> memref<5000xf32, #tpu.memory_space<vmem>>
        tpu.enqueue_dma source(%arg3 : memref<5000xf32, #tpu.memory_space<hbm>>) target(%dma_start3A_21 : memref<5000xf32, #tpu.memory_space<vmem>>) target_semaphore(%run_scoped3A : memref<!tpu.dma_semaphore, #tpu.memory_space<semaphore_mem>>)
        %dma_wait3A = arith.constant 0 : i32
        %dma_wait3A_22 = tpu.memref_slice %arg5[%dma_wait3A] : memref<5008xf32, #tpu.memory_space<vmem>> -> memref<5000xf32, #tpu.memory_space<vmem>>
        %dma_wait3A_23 = arith.constant 0 : i32
        %dma_wait3A_24 = tpu.memref_slice %arg5[%dma_wait3A_23] : memref<5008xf32, #tpu.memory_space<vmem>> -> memref<5000xf32, #tpu.memory_space<vmem>>
        tpu.wait_dma2 semaphore(%run_scoped3A : memref<!tpu.dma_semaphore, #tpu.memory_space<semaphore_mem>>) src(%arg3 : memref<5000xf32, #tpu.memory_space<hbm>>) dst(%dma_wait3A_24 : memref<5000xf32, #tpu.memory_space<vmem>>)
        tpu.yield
      }) : () -> ()
      "tpu.region"() ({
        %run_scoped3A = tpu.sem_alloc : memref<!tpu.dma_semaphore, #tpu.memory_space<semaphore_mem>>
        %dma_start3A = arith.constant 0 : i32
        %dma_start3A_19 = tpu.memref_slice %arg6[%dma_start3A] : memref<20064xf32, #tpu.memory_space<vmem>> -> memref<20000xf32, #tpu.memory_space<vmem>>
        %dma_start3A_20 = arith.constant 0 : i32
        %dma_start3A_21 = tpu.memref_slice %arg6[%dma_start3A_20] : memref<20064xf32, #tpu.memory_space<vmem>> -> memref<20000xf32, #tpu.memory_space<vmem>>
        tpu.enqueue_dma source(%arg2 : memref<20000xf32, #tpu.memory_space<hbm>>) target(%dma_start3A_21 : memref<20000xf32, #tpu.memory_space<vmem>>) target_semaphore(%run_scoped3A : memref<!tpu.dma_semaphore, #tpu.memory_space<semaphore_mem>>)
        %dma_wait3A = arith.constant 0 : i32
        %dma_wait3A_22 = tpu.memref_slice %arg6[%dma_wait3A] : memref<20064xf32, #tpu.memory_space<vmem>> -> memref<20000xf32, #tpu.memory_space<vmem>>
        %dma_wait3A_23 = arith.constant 0 : i32
        %dma_wait3A_24 = tpu.memref_slice %arg6[%dma_wait3A_23] : memref<20064xf32, #tpu.memory_space<vmem>> -> memref<20000xf32, #tpu.memory_space<vmem>>
        tpu.wait_dma2 semaphore(%run_scoped3A : memref<!tpu.dma_semaphore, #tpu.memory_space<semaphore_mem>>) src(%arg2 : memref<20000xf32, #tpu.memory_space<hbm>>) dst(%dma_wait3A_24 : memref<20000xf32, #tpu.memory_space<vmem>>)
        tpu.yield
      }) : () -> ()
      %swap3A_8 = arith.constant 20000 : index
      %swap3A_9 = tpu.vector_load %arg6[%swap3A_8] {strides = array<i32>} : memref<20064xf32, #tpu.memory_space<vmem>>, vector<16xf32>,
      tpu.vector_store %arg6[%swap3A_8], %broadcast_in_dim3A_4 {strides = array<i32>} : memref<20064xf32, #tpu.memory_space<vmem>>, vector<16xf32>,
      %while3A = arith.constant 9.700000e-01 : f32
      %while3A_10 = arith.constant 2.000000e+00 : f32
      %while3A_11 = arith.constant 0 : i32
      %while3A_12 = arith.constant -1 : i32
      %while3A_13:4 = scf.while (%while3A_19 = %while3A, %while3A_20 = %while3A_10, %while3A_21 = %while3A_11, %while3A_22 = %while3A_12) : (f32, f32, i32, i32) -> (f32, f32, i32, i32) {
        %lt3A = arith.constant 100 : i32
        %lt3A_23 = arith.cmpi slt, %while3A_22, %lt3A : i32
        %gt3A = arith.constant 5.000000e-02 : f32
        %gt3A_24 = arith.cmpf ogt, %while3A_20, %gt3A : f32
        %and3A = arith.andi %lt3A_23, %gt3A_24 : i1
        scf.condition(%and3A) %while3A_19, %while3A_20, %while3A_21, %while3A_22 : f32, f32, i32, i32
      } do {
      ^bb0(%while3A_19: f32, %while3A_20: f32, %while3A_21: i32, %while3A_22: i32):
        %mul3A = arith.constant 20 : i32
        %mul3A_23 = arith.muli %arg1, %mul3A : i32
        %add3A_24 = arith.constant 20 : i32
        %add3A_25 = arith.addi %mul3A_23, %add3A_24 : i32
        %min3A = arith.constant 313 : i32
        %min3A_26 = arith.minsi %min3A, %add3A_25 : i32
        %while3A_27 = arith.subi %min3A_26, %mul3A_23 : i32
        %while3A_28 = arith.addi %mul3A_23, %while3A_27 : i32
        %while3A_29 = arith.constant 1 : i32
        %while3A_30 = arith.divsi %while3A_27, %while3A_29 : i32
        %while3A_31 = arith.muli %while3A_30, %while3A_29 : i32
        %while3A_32 = arith.addi %mul3A_23, %while3A_31 : i32
        %while3A_33 = arith.constant 1 : i32
        %while3A_34 = scf.for %while3A_174 = %mul3A_23 to %while3A_32 step %while3A_33 iter_args(%while3A_175 = %broadcast_in_dim3A_2) -> (vector<16xi32>)  : i32 {
          %mul3A_176 = arith.constant 16 : i32
          %mul3A_177 = arith.muli %while3A_174, %mul3A_176 : i32
          %get3A = arith.index_cast %mul3A_177 : i32 to index
          %get3A_178 = tpu.vector_load %arg5[%get3A] {strides = array<i32>} : memref<5008xf32, #tpu.memory_space<vmem>>, vector<16xf32>,
          %gt3A = vector.broadcast %while3A_19 : f32 to vector<16xf32>
          %gt3A_179 = arith.cmpf ogt, %get3A_178, %gt3A : vector<16xf32>
          %convert_element_type3A_180 = arith.extui %gt3A_179 : vector<16xi1> to vector<16xi32>
          %broadcast_in_dim3A_181 = arith.constant true
          %broadcast_in_dim3A_182 = vector.broadcast %broadcast_in_dim3A_181 : i1 to vector<16xi1>
          %masked_cumsum3A_183 = tpu.scan <sum>, %convert_element_type3A_180 masked %broadcast_in_dim3A_182 : vector<16xi32>, vector<16xi1> -> vector<16xi32>
          %add3A_184 = arith.addi %while3A_175, %masked_cumsum3A_183 : vector<16xi32>
          %sub3A_185 = arith.constant 1 : i32
          %sub3A_186 = vector.broadcast %sub3A_185 : i32 to vector<16xi32>
          %sub3A_187 = arith.subi %add3A_184, %sub3A_186 : vector<16xi32>
          %max3A_188 = arith.constant 0 : i32
          %max3A_189 = vector.broadcast %max3A_188 : i32 to vector<16xi32>
          %max3A_190 = arith.maxsi %sub3A_187, %max3A_189 : vector<16xi32>
          %mul3A_191 = arith.constant 16 : i32
          %mul3A_192 = arith.muli %while3A_174, %mul3A_191 : i32
          %add3A_193 = vector.broadcast %mul3A_192 : i32 to vector<16xi32>
          %add3A_194 = arith.addi %add3A_193, %iota3A : vector<16xi32>
          tpu.vector_store_idx %arg16[%max3A_190], %add3A_194 masked %gt3A_179 : memref<336xi32, #tpu.memory_space<vmem>>[vector<16xi32>], vector<16xi32>, vector<16xi1>
          %all_reduce_population_count3A = tpu.all_reduce %gt3A_179 {dim = 0 : i64, kind = #tpu.reduction_kind<sum>} : vector<16xi1> -> vector<16xi32>
          %add3A_195 = arith.addi %while3A_175, %all_reduce_population_count3A : vector<16xi32>
          scf.yield %add3A_195 : vector<16xi32>
        }
        %while3A_35 = arith.constant 1 : i32
        %while3A_36 = scf.for %while3A_174 = %while3A_32 to %while3A_28 step %while3A_35 iter_args(%while3A_175 = %while3A_34) -> (vector<16xi32>)  : i32 {
          %mul3A_176 = arith.constant 16 : i32
          %mul3A_177 = arith.muli %while3A_174, %mul3A_176 : i32
          %get3A = arith.index_cast %mul3A_177 : i32 to index
          %get3A_178 = tpu.vector_load %arg5[%get3A] {strides = array<i32>} : memref<5008xf32, #tpu.memory_space<vmem>>, vector<16xf32>,
          %gt3A = vector.broadcast %while3A_19 : f32 to vector<16xf32>
          %gt3A_179 = arith.cmpf ogt, %get3A_178, %gt3A : vector<16xf32>
          %convert_element_type3A_180 = arith.extui %gt3A_179 : vector<16xi1> to vector<16xi32>
          %broadcast_in_dim3A_181 = arith.constant true
          %broadcast_in_dim3A_182 = vector.broadcast %broadcast_in_dim3A_181 : i1 to vector<16xi1>
          %masked_cumsum3A_183 = tpu.scan <sum>, %convert_element_type3A_180 masked %broadcast_in_dim3A_182 : vector<16xi32>, vector<16xi1> -> vector<16xi32>
          %add3A_184 = arith.addi %while3A_175, %masked_cumsum3A_183 : vector<16xi32>
          %sub3A_185 = arith.constant 1 : i32
          %sub3A_186 = vector.broadcast %sub3A_185 : i32 to vector<16xi32>
          %sub3A_187 = arith.subi %add3A_184, %sub3A_186 : vector<16xi32>
          %max3A_188 = arith.constant 0 : i32
          %max3A_189 = vector.broadcast %max3A_188 : i32 to vector<16xi32>
          %max3A_190 = arith.maxsi %sub3A_187, %max3A_189 : vector<16xi32>
          %mul3A_191 = arith.constant 16 : i32
          %mul3A_192 = arith.muli %while3A_174, %mul3A_191 : i32
          %add3A_193 = vector.broadcast %mul3A_192 : i32 to vector<16xi32>
          %add3A_194 = arith.addi %add3A_193, %iota3A : vector<16xi32>
          tpu.vector_store_idx %arg16[%max3A_190], %add3A_194 masked %gt3A_179 : memref<336xi32, #tpu.memory_space<vmem>>[vector<16xi32>], vector<16xi32>, vector<16xi1>
          %all_reduce_population_count3A = tpu.all_reduce %gt3A_179 {dim = 0 : i64, kind = #tpu.reduction_kind<sum>} : vector<16xi1> -> vector<16xi32>
          %add3A_195 = arith.addi %while3A_175, %all_reduce_population_count3A : vector<16xi32>
          scf.yield %add3A_195 : vector<16xi32>
        }
        %mul3A_37 = arith.constant 336 : i32
        %mul3A_38 = arith.muli %arg1, %mul3A_37 : i32
        "tpu.region"() ({
          %run_scoped3A = tpu.sem_alloc : memref<!tpu.dma_semaphore, #tpu.memory_space<semaphore_mem>>
          %dma_start3A = tpu.memref_slice %arg23[%mul3A_38] : memref<5376xi32, #tpu.memory_space<vmem_shared>> -> memref<336xi32, #tpu.memory_space<vmem_shared>>
          %dma_start3A_174 = tpu.memref_slice %arg23[%mul3A_38] : memref<5376xi32, #tpu.memory_space<vmem_shared>> -> memref<336xi32, #tpu.memory_space<vmem_shared>>
          tpu.enqueue_dma source(%arg16 : memref<336xi32, #tpu.memory_space<vmem>>) target(%dma_start3A_174 : memref<336xi32, #tpu.memory_space<vmem_shared>>) target_semaphore(%run_scoped3A : memref<!tpu.dma_semaphore, #tpu.memory_space<semaphore_mem>>)
          %dma_wait3A = tpu.memref_slice %arg23[%mul3A_38] : memref<5376xi32, #tpu.memory_space<vmem_shared>> -> memref<336xi32, #tpu.memory_space<vmem_shared>>
          %dma_wait3A_175 = tpu.memref_slice %arg23[%mul3A_38] : memref<5376xi32, #tpu.memory_space<vmem_shared>> -> memref<336xi32, #tpu.memory_space<vmem_shared>>
          tpu.wait_dma2 semaphore(%run_scoped3A : memref<!tpu.dma_semaphore, #tpu.memory_space<semaphore_mem>>) src(%arg16 : memref<336xi32, #tpu.memory_space<vmem>>) dst(%dma_wait3A_175 : memref<336xi32, #tpu.memory_space<vmem_shared>>)
          tpu.yield
        }) : () -> ()
        %swap3A_39 = arith.constant 0 : index
        %swap3A_40 = tpu.vector_load %arg15[%swap3A_39] {strides = array<i32>} : memref<272xi32, #tpu.memory_space<vmem>>, vector<16xi32>,
        tpu.vector_store %arg15[%swap3A_39], %while3A_36 {strides = array<i32>} : memref<272xi32, #tpu.memory_space<vmem>>, vector<16xi32>,
        %mul3A_41 = arith.constant 16 : i32
        %mul3A_42 = arith.muli %arg1, %mul3A_41 : i32
        "tpu.region"() ({
          %run_scoped3A = tpu.sem_alloc : memref<!tpu.dma_semaphore, #tpu.memory_space<semaphore_mem>>
          %dma_start3A = arith.constant 0 : i32
          %dma_start3A_174 = tpu.memref_slice %arg15[%dma_start3A] : memref<272xi32, #tpu.memory_space<vmem>> -> memref<16xi32, #tpu.memory_space<vmem>>
          %dma_start3A_175 = tpu.memref_slice %arg22[%mul3A_42] : memref<512xi32, #tpu.memory_space<vmem_shared>> -> memref<16xi32, #tpu.memory_space<vmem_shared>>
          %dma_start3A_176 = tpu.memref_slice %arg22[%mul3A_42] : memref<512xi32, #tpu.memory_space<vmem_shared>> -> memref<16xi32, #tpu.memory_space<vmem_shared>>
          %dma_start3A_177 = arith.constant 0 : i32
          %dma_start3A_178 = tpu.memref_slice %arg15[%dma_start3A_177] : memref<272xi32, #tpu.memory_space<vmem>> -> memref<16xi32, #tpu.memory_space<vmem>>
          tpu.enqueue_dma source(%dma_start3A_178 : memref<16xi32, #tpu.memory_space<vmem>>) target(%dma_start3A_176 : memref<16xi32, #tpu.memory_space<vmem_shared>>) target_semaphore(%run_scoped3A : memref<!tpu.dma_semaphore, #tpu.memory_space<semaphore_mem>>)
          %dma_wait3A = arith.constant 0 : i32
          %dma_wait3A_179 = tpu.memref_slice %arg15[%dma_wait3A] : memref<272xi32, #tpu.memory_space<vmem>> -> memref<16xi32, #tpu.memory_space<vmem>>
          %dma_wait3A_180 = tpu.memref_slice %arg22[%mul3A_42] : memref<512xi32, #tpu.memory_space<vmem_shared>> -> memref<16xi32, #tpu.memory_space<vmem_shared>>
          %dma_wait3A_181 = tpu.memref_slice %arg22[%mul3A_42] : memref<512xi32, #tpu.memory_space<vmem_shared>> -> memref<16xi32, #tpu.memory_space<vmem_shared>>
          %dma_wait3A_182 = arith.constant 0 : i32
          %dma_wait3A_183 = tpu.memref_slice %arg15[%dma_wait3A_182] : memref<272xi32, #tpu.memory_space<vmem>> -> memref<16xi32, #tpu.memory_space<vmem>>
          tpu.wait_dma2 semaphore(%run_scoped3A : memref<!tpu.dma_semaphore, #tpu.memory_space<semaphore_mem>>) src(%dma_wait3A_183 : memref<16xi32, #tpu.memory_space<vmem>>) dst(%dma_wait3A_181 : memref<16xi32, #tpu.memory_space<vmem_shared>>)
          tpu.yield
        }) : () -> ()
        %barrier3A = arith.constant 0 : index
        tpu.barrier barrier_id(%barrier3A)
        "tpu.region"() ({
          %run_scoped3A = tpu.sem_alloc : memref<!tpu.dma_semaphore, #tpu.memory_space<semaphore_mem>>
          tpu.enqueue_dma source(%arg23 : memref<5376xi32, #tpu.memory_space<vmem_shared>>) target(%arg17 : memref<5376xi32, #tpu.memory_space<vmem>>) target_semaphore(%run_scoped3A : memref<!tpu.dma_semaphore, #tpu.memory_space<semaphore_mem>>)
          tpu.wait_dma2 semaphore(%run_scoped3A : memref<!tpu.dma_semaphore, #tpu.memory_space<semaphore_mem>>) src(%arg23 : memref<5376xi32, #tpu.memory_space<vmem_shared>>) dst(%arg17 : memref<5376xi32, #tpu.memory_space<vmem>>)
          tpu.yield
        }) : () -> ()
        "tpu.region"() ({
          %run_scoped3A = tpu.sem_alloc : memref<!tpu.dma_semaphore, #tpu.memory_space<semaphore_mem>>
          %dma_start3A = arith.constant 16 : i32
          %dma_start3A_174 = tpu.memref_slice %arg15[%dma_start3A] : memref<272xi32, #tpu.memory_space<vmem>> -> memref<256xi32, #tpu.memory_space<vmem>>
          %dma_start3A_175 = arith.constant 0 : i32
          %dma_start3A_176 = tpu.memref_slice %arg22[%dma_start3A_175] : memref<512xi32, #tpu.memory_space<vmem_shared>> -> memref<256xi32, #tpu.memory_space<vmem_shared>>
          %dma_start3A_177 = arith.constant 16 : i32
          %dma_start3A_178 = tpu.memref_slice %arg15[%dma_start3A_177] : memref<272xi32, #tpu.memory_space<vmem>> -> memref<256xi32, #tpu.memory_space<vmem>>
          %dma_start3A_179 = arith.constant 0 : i32
          %dma_start3A_180 = tpu.memref_slice %arg22[%dma_start3A_179] : memref<512xi32, #tpu.memory_space<vmem_shared>> -> memref<256xi32, #tpu.memory_space<vmem_shared>>
          tpu.enqueue_dma source(%dma_start3A_180 : memref<256xi32, #tpu.memory_space<vmem_shared>>) target(%dma_start3A_178 : memref<256xi32, #tpu.memory_space<vmem>>) target_semaphore(%run_scoped3A : memref<!tpu.dma_semaphore, #tpu.memory_space<semaphore_mem>>)
          %dma_wait3A = arith.constant 16 : i32
          %dma_wait3A_181 = tpu.memref_slice %arg15[%dma_wait3A] : memref<272xi32, #tpu.memory_space<vmem>> -> memref<256xi32, #tpu.memory_space<vmem>>
          %dma_wait3A_182 = arith.constant 0 : i32
          %dma_wait3A_183 = tpu.memref_slice %arg22[%dma_wait3A_182] : memref<512xi32, #tpu.memory_space<vmem_shared>> -> memref<256xi32, #tpu.memory_space<vmem_shared>>
          %dma_wait3A_184 = arith.constant 16 : i32
          %dma_wait3A_185 = tpu.memref_slice %arg15[%dma_wait3A_184] : memref<272xi32, #tpu.memory_space<vmem>> -> memref<256xi32, #tpu.memory_space<vmem>>
          %dma_wait3A_186 = arith.constant 0 : i32
          %dma_wait3A_187 = tpu.memref_slice %arg22[%dma_wait3A_186] : memref<512xi32, #tpu.memory_space<vmem_shared>> -> memref<256xi32, #tpu.memory_space<vmem_shared>>
          tpu.wait_dma2 semaphore(%run_scoped3A : memref<!tpu.dma_semaphore, #tpu.memory_space<semaphore_mem>>) src(%dma_wait3A_187 : memref<256xi32, #tpu.memory_space<vmem_shared>>) dst(%dma_wait3A_185 : memref<256xi32, #tpu.memory_space<vmem>>)
          tpu.yield
        }) : () -> ()
        %scan3A = arith.constant 0 : i32
        %scan3A_43 = arith.constant 16 : i32
        %scan3A_44 = arith.addi %scan3A, %scan3A_43 : i32
        %scan3A_45 = arith.constant 1 : i32
        %scan3A_46 = scf.for %scan3A_174 = %scan3A to %scan3A_44 step %scan3A_45 iter_args(%scan3A_175 = %broadcast_in_dim3A_2) -> (vector<16xi32>)  : i32 {
          %eq3A_176 = vector.broadcast %scan3A_174 : i32 to vector<16xi32>
          %eq3A_177 = arith.cmpi eq, %iota3A, %eq3A_176 : vector<16xi32>
          %mul3A_178 = arith.constant 16 : i32
          %mul3A_179 = arith.muli %scan3A_174, %mul3A_178 : i32
          %add3A_180 = arith.constant 16 : i32
          %add3A_181 = arith.addi %add3A_180, %mul3A_179 : i32
          %get3A = arith.index_cast %add3A_181 : i32 to index
          %get3A_182 = tpu.vector_load %arg15[%get3A] {strides = array<i32>} : memref<272xi32, #tpu.memory_space<vmem>>, vector<16xi32>,
          %select_n3A_183 = arith.select %eq3A_177, %get3A_182, %scan3A_175 : vector<16xi1>, vector<16xi32>
          scf.yield %select_n3A_183 : vector<16xi32>
        }
        %scan3A_47 = arith.constant 16 : i32
        %broadcast_in_dim3A_48 = arith.constant true
        %broadcast_in_dim3A_49 = vector.broadcast %broadcast_in_dim3A_48 : i1 to vector<16xi1>
        %masked_cumsum3A = tpu.scan <sum>, %scan3A_46 masked %broadcast_in_dim3A_49 : vector<16xi32>, vector<16xi1> -> vector<16xi32>
        %reduce_max3A = arith.constant true
        %reduce_max3A_50 = vector.broadcast %reduce_max3A : i1 to vector<16xi1>
        %reduce_max3A_51 = arith.constant -2147483648 : i32
        %reduce_max3A_52 = vector.broadcast %reduce_max3A_51 : i32 to vector<16xi32>
        %reduce_max3A_53 = arith.xori %masked_cumsum3A, %reduce_max3A_52 : vector<16xi32>
        %reduce_max3A_54 = tpu.scan <max>, %reduce_max3A_53 masked %reduce_max3A_50 : vector<16xi32>, vector<16xi1> -> vector<16xi32>
        %reduce_max3A_55 = arith.xori %reduce_max3A_54, %reduce_max3A_52 : vector<16xi32>
        %reduce_max3A_56 = vector.extract %reduce_max3A_55[15] : i32 from vector<16xi32>
        %sub3A = arith.subi %masked_cumsum3A, %scan3A_46 : vector<16xi32>
        %swap3A_57 = arith.constant 0 : index
        %swap3A_58 = tpu.vector_load %arg18[%swap3A_57] {strides = array<i32>} : memref<16xi32, #tpu.memory_space<vmem>>, vector<16xi32>,
        tpu.vector_store %arg18[%swap3A_57], %sub3A {strides = array<i32>} : memref<16xi32, #tpu.memory_space<vmem>>, vector<16xi32>,
        %scan3A_59 = arith.constant 0 : i32
        %scan3A_60 = arith.constant 0 : i32
        %scan3A_61 = arith.constant 16 : i32
        %scan3A_62 = arith.addi %scan3A_60, %scan3A_61 : i32
        %scan3A_63 = arith.constant 1 : i32
        %scan3A_64 = scf.for %scan3A_174 = %scan3A_60 to %scan3A_62 step %scan3A_63 iter_args(%scan3A_175 = %scan3A_59) -> (i32)  : i32 {
          %add3A_176 = vector.broadcast %scan3A_174 : i32 to vector<16xi32>
          %add3A_177 = arith.addi %broadcast_in_dim3A_2, %add3A_176 : vector<16xi32>
          %gather3A = tpu.vector_load_idx %arg18[%add3A_177] : memref<16xi32, #tpu.memory_space<vmem>>[vector<16xi32>], vector<16xi32>,
          %eq3A_178 = vector.broadcast %scan3A_174 : i32 to vector<16xi32>
          %eq3A_179 = arith.cmpi eq, %iota3A, %eq3A_178 : vector<16xi32>
          %jit3A_180 = arith.constant 0 : i32
          %broadcast_in_dim3A_181 = vector.broadcast %jit3A_180 : i32 to vector<16xi32>
          %select_n3A_182 = arith.select %eq3A_179, %scan3A_46, %broadcast_in_dim3A_181 : vector<16xi1>, vector<16xi32>
          %reduce_max3A_183 = arith.constant true
          %reduce_max3A_184 = vector.broadcast %reduce_max3A_183 : i1 to vector<16xi1>
          %reduce_max3A_185 = arith.constant -2147483648 : i32
          %reduce_max3A_186 = vector.broadcast %reduce_max3A_185 : i32 to vector<16xi32>
          %reduce_max3A_187 = arith.xori %select_n3A_182, %reduce_max3A_186 : vector<16xi32>
          %reduce_max3A_188 = tpu.scan <max>, %reduce_max3A_187 masked %reduce_max3A_184 : vector<16xi32>, vector<16xi1> -> vector<16xi32>
          %reduce_max3A_189 = arith.xori %reduce_max3A_188, %reduce_max3A_186 : vector<16xi32>
          %reduce_max3A_190 = vector.extract %reduce_max3A_189[15] : i32 from vector<16xi32>
          %add3A_191 = arith.constant 15 : i32
          %add3A_192 = arith.addi %reduce_max3A_190, %add3A_191 : i32
          %jit3A_193 = arith.constant 16 : i32
          %div3A_194 = arith.divsi %add3A_192, %jit3A_193 : i32
          %sign3A_195 = arith.constant 0 : i32
          %sign3A_196 = arith.cmpi sgt, %add3A_192, %sign3A_195 : i32
          %sign3A_197 = arith.extui %sign3A_196 : i1 to i32
          %sign3A_198 = arith.constant 0 : i32
          %sign3A_199 = arith.cmpi slt, %add3A_192, %sign3A_198 : i32
          %sign3A_200 = arith.extui %sign3A_199 : i1 to i32
          %sign3A_201 = arith.subi %sign3A_197, %sign3A_200 : i32
          %sign3A_202 = arith.constant 0 : i32
          %sign3A_203 = arith.cmpi sgt, %jit3A_193, %sign3A_202 : i32
          %sign3A_204 = arith.extui %sign3A_203 : i1 to i32
          %sign3A_205 = arith.constant 0 : i32
          %sign3A_206 = arith.cmpi slt, %jit3A_193, %sign3A_205 : i32
          %sign3A_207 = arith.extui %sign3A_206 : i1 to i32
          %sign3A_208 = arith.subi %sign3A_204, %sign3A_207 : i32
          %ne3A_209 = arith.cmpi ne, %sign3A_201, %sign3A_208 : i32
          %rem3A_210 = arith.remsi %add3A_192, %jit3A_193 : i32
          %ne3A_211 = arith.constant 0 : i32
          %ne3A_212 = arith.cmpi ne, %rem3A_210, %ne3A_211 : i32
          %and3A_213 = arith.andi %ne3A_209, %ne3A_212 : i1
          %sub3A_214 = arith.constant 1 : i32
          %sub3A_215 = arith.subi %div3A_194, %sub3A_214 : i32
          %select_n3A_216 = arith.select %and3A_213, %sub3A_215, %div3A_194 : i32
          %while3A_217 = arith.constant 0 : i32
          %while3A_218 = arith.constant 0 : i32
          %while3A_219 = arith.subi %select_n3A_216, %while3A_217 : i32
          %while3A_220 = arith.addi %while3A_217, %while3A_219 : i32
          %while3A_221 = arith.constant 1 : i32
          %while3A_222 = arith.divsi %while3A_219, %while3A_221 : i32
          %while3A_223 = arith.muli %while3A_222, %while3A_221 : i32
          %while3A_224 = arith.addi %while3A_217, %while3A_223 : i32
          %while3A_225 = arith.constant 1 : i32
          %while3A_226 = scf.for %while3A_230 = %while3A_217 to %while3A_224 step %while3A_225 iter_args(%while3A_231 = %while3A_218) -> (i32)  : i32 {
            %mul3A_232 = arith.constant 336 : i32
            %mul3A_233 = arith.muli %scan3A_174, %mul3A_232 : i32
            %mul3A_234 = arith.constant 16 : i32
            %mul3A_235 = arith.muli %while3A_230, %mul3A_234 : i32
            %add3A_236 = arith.addi %mul3A_233, %mul3A_235 : i32
            %get3A = arith.index_cast %add3A_236 : i32 to index
            %get3A_237 = tpu.vector_load %arg17[%get3A] {strides = array<i32>} : memref<5376xi32, #tpu.memory_space<vmem>>, vector<16xi32>,
            %mul3A_238 = arith.constant 16 : i32
            %mul3A_239 = arith.muli %while3A_230, %mul3A_238 : i32
            %add3A_240 = vector.broadcast %mul3A_239 : i32 to vector<16xi32>
            %add3A_241 = arith.addi %gather3A, %add3A_240 : vector<16xi32>
            %add3A_242 = arith.addi %add3A_241, %iota3A : vector<16xi32>
            %min3A_243 = arith.constant 5023 : i32
            %min3A_244 = vector.broadcast %min3A_243 : i32 to vector<16xi32>
            %min3A_245 = arith.minsi %add3A_242, %min3A_244 : vector<16xi32>
            %mul3A_246 = arith.constant 16 : i32
            %mul3A_247 = arith.muli %while3A_230, %mul3A_246 : i32
            %add3A_248 = vector.broadcast %mul3A_247 : i32 to vector<16xi32>
            %add3A_249 = arith.addi %add3A_248, %iota3A : vector<16xi32>
            %lt3A = vector.broadcast %reduce_max3A_190 : i32 to vector<16xi32>
            %lt3A_250 = arith.cmpi slt, %add3A_249, %lt3A : vector<16xi32>
            tpu.vector_store_idx %arg7[%min3A_245], %get3A_237 masked %lt3A_250 : memref<5024xi32, #tpu.memory_space<vmem>>[vector<16xi32>], vector<16xi32>, vector<16xi1>
            %while3A_251 = arith.constant 0 : i32
            scf.yield %while3A_251 : i32
          }
          %while3A_227 = arith.constant 1 : i32
          %while3A_228 = scf.for %while3A_230 = %while3A_224 to %while3A_220 step %while3A_227 iter_args(%while3A_231 = %while3A_226) -> (i32)  : i32 {
            %mul3A_232 = arith.constant 336 : i32
            %mul3A_233 = arith.muli %scan3A_174, %mul3A_232 : i32
            %mul3A_234 = arith.constant 16 : i32
            %mul3A_235 = arith.muli %while3A_230, %mul3A_234 : i32
            %add3A_236 = arith.addi %mul3A_233, %mul3A_235 : i32
            %get3A = arith.index_cast %add3A_236 : i32 to index
            %get3A_237 = tpu.vector_load %arg17[%get3A] {strides = array<i32>} : memref<5376xi32, #tpu.memory_space<vmem>>, vector<16xi32>,
            %mul3A_238 = arith.constant 16 : i32
            %mul3A_239 = arith.muli %while3A_230, %mul3A_238 : i32
            %add3A_240 = vector.broadcast %mul3A_239 : i32 to vector<16xi32>
            %add3A_241 = arith.addi %gather3A, %add3A_240 : vector<16xi32>
            %add3A_242 = arith.addi %add3A_241, %iota3A : vector<16xi32>
            %min3A_243 = arith.constant 5023 : i32
            %min3A_244 = vector.broadcast %min3A_243 : i32 to vector<16xi32>
            %min3A_245 = arith.minsi %add3A_242, %min3A_244 : vector<16xi32>
            %mul3A_246 = arith.constant 16 : i32
            %mul3A_247 = arith.muli %while3A_230, %mul3A_246 : i32
            %add3A_248 = vector.broadcast %mul3A_247 : i32 to vector<16xi32>
            %add3A_249 = arith.addi %add3A_248, %iota3A : vector<16xi32>
            %lt3A = vector.broadcast %reduce_max3A_190 : i32 to vector<16xi32>
            %lt3A_250 = arith.cmpi slt, %add3A_249, %lt3A : vector<16xi32>
            tpu.vector_store_idx %arg7[%min3A_245], %get3A_237 masked %lt3A_250 : memref<5024xi32, #tpu.memory_space<vmem>>[vector<16xi32>], vector<16xi32>, vector<16xi1>
            %while3A_251 = arith.constant 0 : i32
            scf.yield %while3A_251 : i32
          }
          %scan3A_229 = arith.constant 0 : i32
          scf.yield %scan3A_229 : i32
        }
        %scan3A_65 = arith.constant 16 : i32
        %add3A_66 = vector.broadcast %reduce_max3A_56 : i32 to vector<16xi32>
        %add3A_67 = arith.addi %add3A_66, %iota3A : vector<16xi32>
        %add3A_68 = arith.constant 5000 : i32
        %add3A_69 = vector.broadcast %add3A_68 : i32 to vector<16xi32>
        %add3A_70 = arith.addi %broadcast_in_dim3A_2, %add3A_69 : vector<16xi32>
        tpu.vector_store_idx %arg7[%add3A_67], %add3A_70 : memref<5024xi32, #tpu.memory_space<vmem>>[vector<16xi32>], vector<16xi32>,
        %add3A_71 = arith.constant 15 : i32
        %add3A_72 = arith.addi %reduce_max3A_56, %add3A_71 : i32
        %jit3A = arith.constant 16 : i32
        %div3A = arith.divsi %add3A_72, %jit3A : i32
        %sign3A = arith.constant 0 : i32
        %sign3A_73 = arith.cmpi sgt, %add3A_72, %sign3A : i32
        %sign3A_74 = arith.extui %sign3A_73 : i1 to i32
        %sign3A_75 = arith.constant 0 : i32
        %sign3A_76 = arith.cmpi slt, %add3A_72, %sign3A_75 : i32
        %sign3A_77 = arith.extui %sign3A_76 : i1 to i32
        %sign3A_78 = arith.subi %sign3A_74, %sign3A_77 : i32
        %sign3A_79 = arith.constant 0 : i32
        %sign3A_80 = arith.cmpi sgt, %jit3A, %sign3A_79 : i32
        %sign3A_81 = arith.extui %sign3A_80 : i1 to i32
        %sign3A_82 = arith.constant 0 : i32
        %sign3A_83 = arith.cmpi slt, %jit3A, %sign3A_82 : i32
        %sign3A_84 = arith.extui %sign3A_83 : i1 to i32
        %sign3A_85 = arith.subi %sign3A_81, %sign3A_84 : i32
        %ne3A = arith.cmpi ne, %sign3A_78, %sign3A_85 : i32
        %rem3A = arith.remsi %add3A_72, %jit3A : i32
        %ne3A_86 = arith.constant 0 : i32
        %ne3A_87 = arith.cmpi ne, %rem3A, %ne3A_86 : i32
        %and3A = arith.andi %ne3A, %ne3A_87 : i1
        %sub3A_88 = arith.constant 1 : i32
        %sub3A_89 = arith.subi %div3A, %sub3A_88 : i32
        %select_n3A = arith.select %and3A, %sub3A_89, %div3A : i32
        %while3A_90 = arith.constant 0 : i32
        %while3A_91 = arith.constant 0 : i32
        %while3A_92 = arith.subi %select_n3A, %while3A_90 : i32
        %while3A_93 = arith.addi %while3A_90, %while3A_92 : i32
        %while3A_94 = arith.constant 1 : i32
        %while3A_95 = arith.divsi %while3A_92, %while3A_94 : i32
        %while3A_96 = arith.muli %while3A_95, %while3A_94 : i32
        %while3A_97 = arith.addi %while3A_90, %while3A_96 : i32
        %while3A_98 = arith.constant 1 : i32
        %while3A_99 = scf.for %while3A_174 = %while3A_90 to %while3A_97 step %while3A_98 iter_args(%while3A_175 = %while3A_91) -> (i32)  : i32 {
          %mul3A_176 = arith.constant 16 : i32
          %mul3A_177 = arith.muli %while3A_174, %mul3A_176 : i32
          %get3A = arith.index_cast %mul3A_177 : i32 to index
          %get3A_178 = tpu.vector_load %arg7[%get3A] {strides = array<i32>} : memref<5024xi32, #tpu.memory_space<vmem>>, vector<16xi32>,
          %mul3A_179 = arith.constant 4 : i32
          %mul3A_180 = vector.broadcast %mul3A_179 : i32 to vector<16xi32>
          %mul3A_181 = arith.muli %get3A_178, %mul3A_180 : vector<16xi32>
          %gather3A = tpu.vector_load_idx %arg6[%mul3A_181] : memref<20064xf32, #tpu.memory_space<vmem>>[vector<16xi32>], vector<16xf32>,
          %add3A_182 = arith.constant 1 : i32
          %add3A_183 = vector.broadcast %add3A_182 : i32 to vector<16xi32>
          %add3A_184 = arith.addi %mul3A_181, %add3A_183 : vector<16xi32>
          %gather3A_185 = tpu.vector_load_idx %arg6[%add3A_184] : memref<20064xf32, #tpu.memory_space<vmem>>[vector<16xi32>], vector<16xf32>,
          %add3A_186 = arith.constant 2 : i32
          %add3A_187 = vector.broadcast %add3A_186 : i32 to vector<16xi32>
          %add3A_188 = arith.addi %mul3A_181, %add3A_187 : vector<16xi32>
          %gather3A_189 = tpu.vector_load_idx %arg6[%add3A_188] : memref<20064xf32, #tpu.memory_space<vmem>>[vector<16xi32>], vector<16xf32>,
          %add3A_190 = arith.constant 3 : i32
          %add3A_191 = vector.broadcast %add3A_190 : i32 to vector<16xi32>
          %add3A_192 = arith.addi %mul3A_181, %add3A_191 : vector<16xi32>
          %gather3A_193 = tpu.vector_load_idx %arg6[%add3A_192] : memref<20064xf32, #tpu.memory_space<vmem>>[vector<16xi32>], vector<16xf32>,
          %gather3A_194 = tpu.vector_load_idx %arg5[%get3A_178] : memref<5008xf32, #tpu.memory_space<vmem>>[vector<16xi32>], vector<16xf32>,
          %swap3A_195 = arith.index_cast %mul3A_177 : i32 to index
          %swap3A_196 = tpu.vector_load %arg8[%swap3A_195] {strides = array<i32>} : memref<5024xf32, #tpu.memory_space<vmem>>, vector<16xf32>,
          tpu.vector_store %arg8[%swap3A_195], %gather3A {strides = array<i32>} : memref<5024xf32, #tpu.memory_space<vmem>>, vector<16xf32>,
          %swap3A_197 = arith.index_cast %mul3A_177 : i32 to index
          %swap3A_198 = tpu.vector_load %arg9[%swap3A_197] {strides = array<i32>} : memref<5024xf32, #tpu.memory_space<vmem>>, vector<16xf32>,
          tpu.vector_store %arg9[%swap3A_197], %gather3A_185 {strides = array<i32>} : memref<5024xf32, #tpu.memory_space<vmem>>, vector<16xf32>,
          %swap3A_199 = arith.index_cast %mul3A_177 : i32 to index
          %swap3A_200 = tpu.vector_load %arg10[%swap3A_199] {strides = array<i32>} : memref<5024xf32, #tpu.memory_space<vmem>>, vector<16xf32>,
          tpu.vector_store %arg10[%swap3A_199], %gather3A_189 {strides = array<i32>} : memref<5024xf32, #tpu.memory_space<vmem>>, vector<16xf32>,
          %swap3A_201 = arith.index_cast %mul3A_177 : i32 to index
          %swap3A_202 = tpu.vector_load %arg11[%swap3A_201] {strides = array<i32>} : memref<5024xf32, #tpu.memory_space<vmem>>, vector<16xf32>,
          tpu.vector_store %arg11[%swap3A_201], %gather3A_193 {strides = array<i32>} : memref<5024xf32, #tpu.memory_space<vmem>>, vector<16xf32>,
          %swap3A_203 = arith.index_cast %mul3A_177 : i32 to index
          %swap3A_204 = tpu.vector_load %arg12[%swap3A_203] {strides = array<i32>} : memref<5024xf32, #tpu.memory_space<vmem>>, vector<16xf32>,
          tpu.vector_store %arg12[%swap3A_203], %gather3A_194 {strides = array<i32>} : memref<5024xf32, #tpu.memory_space<vmem>>, vector<16xf32>,
          %sub3A_205 = arith.subf %gather3A_189, %gather3A : vector<16xf32>
          %sub3A_206 = arith.subf %gather3A_193, %gather3A_185 : vector<16xf32>
          %mul3A_207 = arith.mulf %sub3A_205, %sub3A_206 : vector<16xf32>
          %swap3A_208 = arith.index_cast %mul3A_177 : i32 to index
          %swap3A_209 = tpu.vector_load %arg13[%swap3A_208] {strides = array<i32>} : memref<5024xf32, #tpu.memory_space<vmem>>, vector<16xf32>,
          tpu.vector_store %arg13[%swap3A_208], %mul3A_207 {strides = array<i32>} : memref<5024xf32, #tpu.memory_space<vmem>>, vector<16xf32>,
          %while3A_210 = arith.constant 0 : i32
          scf.yield %while3A_210 : i32
        }
        %while3A_100 = arith.constant 1 : i32
        %while3A_101 = scf.for %while3A_174 = %while3A_97 to %while3A_93 step %while3A_100 iter_args(%while3A_175 = %while3A_99) -> (i32)  : i32 {
          %mul3A_176 = arith.constant 16 : i32
          %mul3A_177 = arith.muli %while3A_174, %mul3A_176 : i32
          %get3A = arith.index_cast %mul3A_177 : i32 to index
          %get3A_178 = tpu.vector_load %arg7[%get3A] {strides = array<i32>} : memref<5024xi32, #tpu.memory_space<vmem>>, vector<16xi32>,
          %mul3A_179 = arith.constant 4 : i32
          %mul3A_180 = vector.broadcast %mul3A_179 : i32 to vector<16xi32>
          %mul3A_181 = arith.muli %get3A_178, %mul3A_180 : vector<16xi32>
          %gather3A = tpu.vector_load_idx %arg6[%mul3A_181] : memref<20064xf32, #tpu.memory_space<vmem>>[vector<16xi32>], vector<16xf32>,
          %add3A_182 = arith.constant 1 : i32
          %add3A_183 = vector.broadcast %add3A_182 : i32 to vector<16xi32>
          %add3A_184 = arith.addi %mul3A_181, %add3A_183 : vector<16xi32>
          %gather3A_185 = tpu.vector_load_idx %arg6[%add3A_184] : memref<20064xf32, #tpu.memory_space<vmem>>[vector<16xi32>], vector<16xf32>,
          %add3A_186 = arith.constant 2 : i32
          %add3A_187 = vector.broadcast %add3A_186 : i32 to vector<16xi32>
          %add3A_188 = arith.addi %mul3A_181, %add3A_187 : vector<16xi32>
          %gather3A_189 = tpu.vector_load_idx %arg6[%add3A_188] : memref<20064xf32, #tpu.memory_space<vmem>>[vector<16xi32>], vector<16xf32>,
          %add3A_190 = arith.constant 3 : i32
          %add3A_191 = vector.broadcast %add3A_190 : i32 to vector<16xi32>
          %add3A_192 = arith.addi %mul3A_181, %add3A_191 : vector<16xi32>
          %gather3A_193 = tpu.vector_load_idx %arg6[%add3A_192] : memref<20064xf32, #tpu.memory_space<vmem>>[vector<16xi32>], vector<16xf32>,
          %gather3A_194 = tpu.vector_load_idx %arg5[%get3A_178] : memref<5008xf32, #tpu.memory_space<vmem>>[vector<16xi32>], vector<16xf32>,
          %swap3A_195 = arith.index_cast %mul3A_177 : i32 to index
          %swap3A_196 = tpu.vector_load %arg8[%swap3A_195] {strides = array<i32>} : memref<5024xf32, #tpu.memory_space<vmem>>, vector<16xf32>,
          tpu.vector_store %arg8[%swap3A_195], %gather3A {strides = array<i32>} : memref<5024xf32, #tpu.memory_space<vmem>>, vector<16xf32>,
          %swap3A_197 = arith.index_cast %mul3A_177 : i32 to index
          %swap3A_198 = tpu.vector_load %arg9[%swap3A_197] {strides = array<i32>} : memref<5024xf32, #tpu.memory_space<vmem>>, vector<16xf32>,
          tpu.vector_store %arg9[%swap3A_197], %gather3A_185 {strides = array<i32>} : memref<5024xf32, #tpu.memory_space<vmem>>, vector<16xf32>,
          %swap3A_199 = arith.index_cast %mul3A_177 : i32 to index
          %swap3A_200 = tpu.vector_load %arg10[%swap3A_199] {strides = array<i32>} : memref<5024xf32, #tpu.memory_space<vmem>>, vector<16xf32>,
          tpu.vector_store %arg10[%swap3A_199], %gather3A_189 {strides = array<i32>} : memref<5024xf32, #tpu.memory_space<vmem>>, vector<16xf32>,
          %swap3A_201 = arith.index_cast %mul3A_177 : i32 to index
          %swap3A_202 = tpu.vector_load %arg11[%swap3A_201] {strides = array<i32>} : memref<5024xf32, #tpu.memory_space<vmem>>, vector<16xf32>,
          tpu.vector_store %arg11[%swap3A_201], %gather3A_193 {strides = array<i32>} : memref<5024xf32, #tpu.memory_space<vmem>>, vector<16xf32>,
          %swap3A_203 = arith.index_cast %mul3A_177 : i32 to index
          %swap3A_204 = tpu.vector_load %arg12[%swap3A_203] {strides = array<i32>} : memref<5024xf32, #tpu.memory_space<vmem>>, vector<16xf32>,
          tpu.vector_store %arg12[%swap3A_203], %gather3A_194 {strides = array<i32>} : memref<5024xf32, #tpu.memory_space<vmem>>, vector<16xf32>,
          %sub3A_205 = arith.subf %gather3A_189, %gather3A : vector<16xf32>
          %sub3A_206 = arith.subf %gather3A_193, %gather3A_185 : vector<16xf32>
          %mul3A_207 = arith.mulf %sub3A_205, %sub3A_206 : vector<16xf32>
          %swap3A_208 = arith.index_cast %mul3A_177 : i32 to index
          %swap3A_209 = tpu.vector_load %arg13[%swap3A_208] {strides = array<i32>} : memref<5024xf32, #tpu.memory_space<vmem>>, vector<16xf32>,
          tpu.vector_store %arg13[%swap3A_208], %mul3A_207 {strides = array<i32>} : memref<5024xf32, #tpu.memory_space<vmem>>, vector<16xf32>,
          %while3A_210 = arith.constant 0 : i32
          scf.yield %while3A_210 : i32
        }
        %mul3A_102 = arith.constant 16 : i32
        %mul3A_103 = arith.muli %select_n3A, %mul3A_102 : i32
        %sub3A_104 = arith.subi %select_n3A, %arg1 : i32
        %add3A_105 = arith.constant 16 : i32
        %add3A_106 = arith.addi %sub3A_104, %add3A_105 : i32
        %sub3A_107 = arith.constant 1 : i32
        %sub3A_108 = arith.subi %add3A_106, %sub3A_107 : i32
        %jit3A_109 = arith.constant 16 : i32
        %div3A_110 = arith.divsi %sub3A_108, %jit3A_109 : i32
        %sign3A_111 = arith.constant 0 : i32
        %sign3A_112 = arith.cmpi sgt, %sub3A_108, %sign3A_111 : i32
        %sign3A_113 = arith.extui %sign3A_112 : i1 to i32
        %sign3A_114 = arith.constant 0 : i32
        %sign3A_115 = arith.cmpi slt, %sub3A_108, %sign3A_114 : i32
        %sign3A_116 = arith.extui %sign3A_115 : i1 to i32
        %sign3A_117 = arith.subi %sign3A_113, %sign3A_116 : i32
        %sign3A_118 = arith.constant 0 : i32
        %sign3A_119 = arith.cmpi sgt, %jit3A_109, %sign3A_118 : i32
        %sign3A_120 = arith.extui %sign3A_119 : i1 to i32
        %sign3A_121 = arith.constant 0 : i32
        %sign3A_122 = arith.cmpi slt, %jit3A_109, %sign3A_121 : i32
        %sign3A_123 = arith.extui %sign3A_122 : i1 to i32
        %sign3A_124 = arith.subi %sign3A_120, %sign3A_123 : i32
        %ne3A_125 = arith.cmpi ne, %sign3A_117, %sign3A_124 : i32
        %rem3A_126 = arith.remsi %sub3A_108, %jit3A_109 : i32
        %ne3A_127 = arith.constant 0 : i32
        %ne3A_128 = arith.cmpi ne, %rem3A_126, %ne3A_127 : i32
        %and3A_129 = arith.andi %ne3A_125, %ne3A_128 : i1
        %sub3A_130 = arith.constant 1 : i32
        %sub3A_131 = arith.subi %div3A_110, %sub3A_130 : i32
        %select_n3A_132 = arith.select %and3A_129, %sub3A_131, %div3A_110 : i32
        %max3A = arith.constant 0 : i32
        %max3A_133 = arith.maxsi %max3A, %select_n3A_132 : i32
        %while3A_134 = arith.constant 0 : i32
        %while3A_135 = arith.constant 0 : i32
        %while3A_136 = arith.subi %max3A_133, %while3A_134 : i32
        %while3A_137 = arith.addi %while3A_134, %while3A_136 : i32
        %while3A_138 = arith.constant 1 : i32
        %while3A_139 = arith.divsi %while3A_136, %while3A_138 : i32
        %while3A_140 = arith.muli %while3A_139, %while3A_138 : i32
        %while3A_141 = arith.addi %while3A_134, %while3A_140 : i32
        %while3A_142 = arith.constant 1 : i32
        %while3A_143 = scf.for %while3A_174 = %while3A_134 to %while3A_141 step %while3A_142 iter_args(%while3A_175 = %while3A_135) -> (i32)  : i32 {
          %mul3A_176 = arith.constant 16 : i32
          %mul3A_177 = arith.muli %while3A_174, %mul3A_176 : i32
          %add3A_178 = arith.addi %arg1, %mul3A_177 : i32
          %mul3A_179 = arith.constant 16 : i32
          %mul3A_180 = arith.muli %add3A_178, %mul3A_179 : i32
          %get3A = arith.index_cast %mul3A_180 : i32 to index
          %get3A_181 = tpu.vector_load %arg8[%get3A] {strides = array<i32>} : memref<5024xf32, #tpu.memory_space<vmem>>, vector<16xf32>,
          %get3A_182 = arith.index_cast %mul3A_180 : i32 to index
          %get3A_183 = tpu.vector_load %arg9[%get3A_182] {strides = array<i32>} : memref<5024xf32, #tpu.memory_space<vmem>>, vector<16xf32>,
          %get3A_184 = arith.index_cast %mul3A_180 : i32 to index
          %get3A_185 = tpu.vector_load %arg10[%get3A_184] {strides = array<i32>} : memref<5024xf32, #tpu.memory_space<vmem>>, vector<16xf32>,
          %get3A_186 = arith.index_cast %mul3A_180 : i32 to index
          %get3A_187 = tpu.vector_load %arg11[%get3A_186] {strides = array<i32>} : memref<5024xf32, #tpu.memory_space<vmem>>, vector<16xf32>,
          %get3A_188 = arith.index_cast %mul3A_180 : i32 to index
          %get3A_189 = tpu.vector_load %arg12[%get3A_188] {strides = array<i32>} : memref<5024xf32, #tpu.memory_space<vmem>>, vector<16xf32>,
          %get3A_190 = arith.index_cast %mul3A_180 : i32 to index
          %get3A_191 = tpu.vector_load %arg13[%get3A_190] {strides = array<i32>} : memref<5024xf32, #tpu.memory_space<vmem>>, vector<16xf32>,
          %get3A_192 = arith.index_cast %mul3A_180 : i32 to index
          %get3A_193 = tpu.vector_load %arg7[%get3A_192] {strides = array<i32>} : memref<5024xi32, #tpu.memory_space<vmem>>, vector<16xi32>,
          %broadcast_in_dim3A_194 = arith.constant false
          %broadcast_in_dim3A_195 = vector.broadcast %broadcast_in_dim3A_194 : i1 to vector<16xi1>
          %while3A_196 = arith.constant 0 : i32
          %while3A_197 = arith.subi %mul3A_103, %while3A_196 : i32
          %while3A_198 = arith.addi %while3A_196, %while3A_197 : i32
          %while3A_199 = arith.constant 1 : i32
          %while3A_200 = arith.divsi %while3A_197, %while3A_199 : i32
          %while3A_201 = arith.muli %while3A_200, %while3A_199 : i32
          %while3A_202 = arith.addi %while3A_196, %while3A_201 : i32
          %while3A_203 = arith.constant 1 : i32
          %while3A_204 = scf.for %while3A_221 = %while3A_196 to %while3A_202 step %while3A_203 iter_args(%while3A_222 = %broadcast_in_dim3A_195) -> (vector<16xi1>)  : i32 {
            %add3A_223 = vector.broadcast %while3A_221 : i32 to vector<16xi32>
            %add3A_224 = arith.addi %broadcast_in_dim3A_2, %add3A_223 : vector<16xi32>
            %gather3A = tpu.vector_load_idx %arg8[%add3A_224] : memref<5024xf32, #tpu.memory_space<vmem>>[vector<16xi32>], vector<16xf32>,
            %gather3A_225 = tpu.vector_load_idx %arg9[%add3A_224] : memref<5024xf32, #tpu.memory_space<vmem>>[vector<16xi32>], vector<16xf32>,
            %gather3A_226 = tpu.vector_load_idx %arg10[%add3A_224] : memref<5024xf32, #tpu.memory_space<vmem>>[vector<16xi32>], vector<16xf32>,
            %gather3A_227 = tpu.vector_load_idx %arg11[%add3A_224] : memref<5024xf32, #tpu.memory_space<vmem>>[vector<16xi32>], vector<16xf32>,
            %gather3A_228 = tpu.vector_load_idx %arg12[%add3A_224] : memref<5024xf32, #tpu.memory_space<vmem>>[vector<16xi32>], vector<16xf32>,
            %gather3A_229 = tpu.vector_load_idx %arg13[%add3A_224] : memref<5024xf32, #tpu.memory_space<vmem>>[vector<16xi32>], vector<16xf32>,
            %gather3A_230 = tpu.vector_load_idx %arg7[%add3A_224] : memref<5024xi32, #tpu.memory_space<vmem>>[vector<16xi32>], vector<16xi32>,
            %min3A_231 = arith.minimumf %get3A_185, %gather3A_226 : vector<16xf32>
            %max3A_232 = arith.maximumf %get3A_181, %gather3A : vector<16xf32>
            %sub3A_233 = arith.subf %min3A_231, %max3A_232 : vector<16xf32>
            %max3A_234 = arith.constant 0.000000e+00 : f32
            %max3A_235 = vector.broadcast %max3A_234 : f32 to vector<16xf32>
            %max3A_236 = arith.maximumf %sub3A_233, %max3A_235 : vector<16xf32>
            %min3A_237 = arith.minimumf %get3A_187, %gather3A_227 : vector<16xf32>
            %max3A_238 = arith.maximumf %get3A_183, %gather3A_225 : vector<16xf32>
            %sub3A_239 = arith.subf %min3A_237, %max3A_238 : vector<16xf32>
            %max3A_240 = arith.constant 0.000000e+00 : f32
            %max3A_241 = vector.broadcast %max3A_240 : f32 to vector<16xf32>
            %max3A_242 = arith.maximumf %sub3A_239, %max3A_241 : vector<16xf32>
            %mul3A_243 = arith.mulf %max3A_236, %max3A_242 : vector<16xf32>
            %add3A_244 = arith.addf %gather3A_229, %get3A_191 : vector<16xf32>
            %sub3A_245 = arith.subf %add3A_244, %mul3A_243 : vector<16xf32>
            %add3A_246 = arith.constant 9.99999971E-10 : f32
            %add3A_247 = vector.broadcast %add3A_246 : f32 to vector<16xf32>
            %add3A_248 = arith.addf %sub3A_245, %add3A_247 : vector<16xf32>
            %div3A_249 = arith.divf %mul3A_243, %add3A_248 : vector<16xf32>
            %gt3A_250 = arith.cmpf ogt, %gather3A_228, %get3A_189 : vector<16xf32>
            %eq3A_251 = arith.cmpf oeq, %gather3A_228, %get3A_189 : vector<16xf32>
            %lt3A = arith.cmpi slt, %gather3A_230, %get3A_193 : vector<16xi32>
            %and3A_252 = arith.andi %eq3A_251, %lt3A : vector<16xi1>
            %or3A = arith.ori %gt3A_250, %and3A_252 : vector<16xi1>
            %gt3A_253 = arith.constant 5.000000e-01 : f32
            %gt3A_254 = vector.broadcast %gt3A_253 : f32 to vector<16xf32>
            %gt3A_255 = arith.cmpf ogt, %div3A_249, %gt3A_254 : vector<16xf32>
            %and3A_256 = arith.andi %gt3A_255, %or3A : vector<16xi1>
            %or3A_257 = arith.ori %while3A_222, %and3A_256 : vector<16xi1>
            scf.yield %or3A_257 : vector<16xi1>
          }
          %while3A_205 = arith.constant 1 : i32
          %while3A_206 = scf.for %while3A_221 = %while3A_202 to %while3A_198 step %while3A_205 iter_args(%while3A_222 = %while3A_204) -> (vector<16xi1>)  : i32 {
            %add3A_223 = vector.broadcast %while3A_221 : i32 to vector<16xi32>
            %add3A_224 = arith.addi %broadcast_in_dim3A_2, %add3A_223 : vector<16xi32>
            %gather3A = tpu.vector_load_idx %arg8[%add3A_224] : memref<5024xf32, #tpu.memory_space<vmem>>[vector<16xi32>], vector<16xf32>,
            %gather3A_225 = tpu.vector_load_idx %arg9[%add3A_224] : memref<5024xf32, #tpu.memory_space<vmem>>[vector<16xi32>], vector<16xf32>,
            %gather3A_226 = tpu.vector_load_idx %arg10[%add3A_224] : memref<5024xf32, #tpu.memory_space<vmem>>[vector<16xi32>], vector<16xf32>,
            %gather3A_227 = tpu.vector_load_idx %arg11[%add3A_224] : memref<5024xf32, #tpu.memory_space<vmem>>[vector<16xi32>], vector<16xf32>,
            %gather3A_228 = tpu.vector_load_idx %arg12[%add3A_224] : memref<5024xf32, #tpu.memory_space<vmem>>[vector<16xi32>], vector<16xf32>,
            %gather3A_229 = tpu.vector_load_idx %arg13[%add3A_224] : memref<5024xf32, #tpu.memory_space<vmem>>[vector<16xi32>], vector<16xf32>,
            %gather3A_230 = tpu.vector_load_idx %arg7[%add3A_224] : memref<5024xi32, #tpu.memory_space<vmem>>[vector<16xi32>], vector<16xi32>,
            %min3A_231 = arith.minimumf %get3A_185, %gather3A_226 : vector<16xf32>
            %max3A_232 = arith.maximumf %get3A_181, %gather3A : vector<16xf32>
            %sub3A_233 = arith.subf %min3A_231, %max3A_232 : vector<16xf32>
            %max3A_234 = arith.constant 0.000000e+00 : f32
            %max3A_235 = vector.broadcast %max3A_234 : f32 to vector<16xf32>
            %max3A_236 = arith.maximumf %sub3A_233, %max3A_235 : vector<16xf32>
            %min3A_237 = arith.minimumf %get3A_187, %gather3A_227 : vector<16xf32>
            %max3A_238 = arith.maximumf %get3A_183, %gather3A_225 : vector<16xf32>
            %sub3A_239 = arith.subf %min3A_237, %max3A_238 : vector<16xf32>
            %max3A_240 = arith.constant 0.000000e+00 : f32
            %max3A_241 = vector.broadcast %max3A_240 : f32 to vector<16xf32>
            %max3A_242 = arith.maximumf %sub3A_239, %max3A_241 : vector<16xf32>
            %mul3A_243 = arith.mulf %max3A_236, %max3A_242 : vector<16xf32>
            %add3A_244 = arith.addf %gather3A_229, %get3A_191 : vector<16xf32>
            %sub3A_245 = arith.subf %add3A_244, %mul3A_243 : vector<16xf32>
            %add3A_246 = arith.constant 9.99999971E-10 : f32
            %add3A_247 = vector.broadcast %add3A_246 : f32 to vector<16xf32>
            %add3A_248 = arith.addf %sub3A_245, %add3A_247 : vector<16xf32>
            %div3A_249 = arith.divf %mul3A_243, %add3A_248 : vector<16xf32>
            %gt3A_250 = arith.cmpf ogt, %gather3A_228, %get3A_189 : vector<16xf32>
            %eq3A_251 = arith.cmpf oeq, %gather3A_228, %get3A_189 : vector<16xf32>
            %lt3A = arith.cmpi slt, %gather3A_230, %get3A_193 : vector<16xi32>
            %and3A_252 = arith.andi %eq3A_251, %lt3A : vector<16xi1>
            %or3A = arith.ori %gt3A_250, %and3A_252 : vector<16xi1>
            %gt3A_253 = arith.constant 5.000000e-01 : f32
            %gt3A_254 = vector.broadcast %gt3A_253 : f32 to vector<16xf32>
            %gt3A_255 = arith.cmpf ogt, %div3A_249, %gt3A_254 : vector<16xf32>
            %and3A_256 = arith.andi %gt3A_255, %or3A : vector<16xi1>
            %or3A_257 = arith.ori %while3A_222, %and3A_256 : vector<16xi1>
            scf.yield %or3A_257 : vector<16xi1>
          }
          %not3A = arith.constant dense<true> : vector<16xi1>
          %not3A_207 = arith.xori %while3A_206, %not3A : vector<16xi1>
          %gt3A = arith.constant 5.000000e-02 : f32
          %gt3A_208 = vector.broadcast %gt3A : f32 to vector<16xf32>
          %gt3A_209 = arith.cmpf ogt, %get3A_189, %gt3A_208 : vector<16xf32>
          %and3A_210 = arith.andi %not3A_207, %gt3A_209 : vector<16xi1>
          %jit3A_211 = arith.constant -1.000000e+09 : f32
          %broadcast_in_dim3A_212 = vector.broadcast %jit3A_211 : f32 to vector<16xf32>
          %select_n3A_213 = arith.select %and3A_210, %get3A_189, %broadcast_in_dim3A_212 : vector<16xi1>, vector<16xf32>
          %swap3A_214 = arith.index_cast %mul3A_180 : i32 to index
          %swap3A_215 = tpu.vector_load %arg14[%swap3A_214] {strides = array<i32>} : memref<5024xf32, #tpu.memory_space<vmem>>, vector<16xf32>,
          tpu.vector_store %arg14[%swap3A_214], %select_n3A_213 {strides = array<i32>} : memref<5024xf32, #tpu.memory_space<vmem>>, vector<16xf32>,
          "tpu.region"() ({
            %run_scoped3A = tpu.sem_alloc : memref<!tpu.dma_semaphore, #tpu.memory_space<semaphore_mem>>
            %dma_start3A = tpu.memref_slice %arg14[%mul3A_180] : memref<5024xf32, #tpu.memory_space<vmem>> -> memref<16xf32, #tpu.memory_space<vmem>>
            %dma_start3A_221 = tpu.memref_slice %arg21[%mul3A_180] : memref<5024xf32, #tpu.memory_space<vmem_shared>> -> memref<16xf32, #tpu.memory_space<vmem_shared>>
            %dma_start3A_222 = tpu.memref_slice %arg21[%mul3A_180] : memref<5024xf32, #tpu.memory_space<vmem_shared>> -> memref<16xf32, #tpu.memory_space<vmem_shared>>
            %dma_start3A_223 = tpu.memref_slice %arg14[%mul3A_180] : memref<5024xf32, #tpu.memory_space<vmem>> -> memref<16xf32, #tpu.memory_space<vmem>>
            tpu.enqueue_dma source(%dma_start3A_223 : memref<16xf32, #tpu.memory_space<vmem>>) target(%dma_start3A_222 : memref<16xf32, #tpu.memory_space<vmem_shared>>) target_semaphore(%run_scoped3A : memref<!tpu.dma_semaphore, #tpu.memory_space<semaphore_mem>>)
            %dma_wait3A = tpu.memref_slice %arg14[%mul3A_180] : memref<5024xf32, #tpu.memory_space<vmem>> -> memref<16xf32, #tpu.memory_space<vmem>>
            %dma_wait3A_224 = tpu.memref_slice %arg21[%mul3A_180] : memref<5024xf32, #tpu.memory_space<vmem_shared>> -> memref<16xf32, #tpu.memory_space<vmem_shared>>
            %dma_wait3A_225 = tpu.memref_slice %arg21[%mul3A_180] : memref<5024xf32, #tpu.memory_space<vmem_shared>> -> memref<16xf32, #tpu.memory_space<vmem_shared>>
            %dma_wait3A_226 = tpu.memref_slice %arg14[%mul3A_180] : memref<5024xf32, #tpu.memory_space<vmem>> -> memref<16xf32, #tpu.memory_space<vmem>>
            tpu.wait_dma2 semaphore(%run_scoped3A : memref<!tpu.dma_semaphore, #tpu.memory_space<semaphore_mem>>) src(%dma_wait3A_226 : memref<16xf32, #tpu.memory_space<vmem>>) dst(%dma_wait3A_225 : memref<16xf32, #tpu.memory_space<vmem_shared>>)
            tpu.yield
          }) : () -> ()
          %convert_element_type3A_216 = arith.extui %and3A_210 : vector<16xi1> to vector<16xi32>
          %reduce_sum3A = arith.constant true
          %reduce_sum3A_217 = vector.broadcast %reduce_sum3A : i1 to vector<16xi1>
          %reduce_sum3A_218 = tpu.scan <sum>, %convert_element_type3A_216 masked %reduce_sum3A_217 : vector<16xi32>, vector<16xi1> -> vector<16xi32>
          %reduce_sum3A_219 = vector.extract %reduce_sum3A_218[15] : i32 from vector<16xi32>
          %add3A_220 = arith.addi %while3A_175, %reduce_sum3A_219 : i32
          scf.yield %add3A_220 : i32
        }
        %while3A_144 = arith.constant 1 : i32
        %while3A_145 = scf.for %while3A_174 = %while3A_141 to %while3A_137 step %while3A_144 iter_args(%while3A_175 = %while3A_143) -> (i32)  : i32 {
          %mul3A_176 = arith.constant 16 : i32
          %mul3A_177 = arith.muli %while3A_174, %mul3A_176 : i32
          %add3A_178 = arith.addi %arg1, %mul3A_177 : i32
          %mul3A_179 = arith.constant 16 : i32
          %mul3A_180 = arith.muli %add3A_178, %mul3A_179 : i32
          %get3A = arith.index_cast %mul3A_180 : i32 to index
          %get3A_181 = tpu.vector_load %arg8[%get3A] {strides = array<i32>} : memref<5024xf32, #tpu.memory_space<vmem>>, vector<16xf32>,
          %get3A_182 = arith.index_cast %mul3A_180 : i32 to index
          %get3A_183 = tpu.vector_load %arg9[%get3A_182] {strides = array<i32>} : memref<5024xf32, #tpu.memory_space<vmem>>, vector<16xf32>,
          %get3A_184 = arith.index_cast %mul3A_180 : i32 to index
          %get3A_185 = tpu.vector_load %arg10[%get3A_184] {strides = array<i32>} : memref<5024xf32, #tpu.memory_space<vmem>>, vector<16xf32>,
          %get3A_186 = arith.index_cast %mul3A_180 : i32 to index
          %get3A_187 = tpu.vector_load %arg11[%get3A_186] {strides = array<i32>} : memref<5024xf32, #tpu.memory_space<vmem>>, vector<16xf32>,
          %get3A_188 = arith.index_cast %mul3A_180 : i32 to index
          %get3A_189 = tpu.vector_load %arg12[%get3A_188] {strides = array<i32>} : memref<5024xf32, #tpu.memory_space<vmem>>, vector<16xf32>,
          %get3A_190 = arith.index_cast %mul3A_180 : i32 to index
          %get3A_191 = tpu.vector_load %arg13[%get3A_190] {strides = array<i32>} : memref<5024xf32, #tpu.memory_space<vmem>>, vector<16xf32>,
          %get3A_192 = arith.index_cast %mul3A_180 : i32 to index
          %get3A_193 = tpu.vector_load %arg7[%get3A_192] {strides = array<i32>} : memref<5024xi32, #tpu.memory_space<vmem>>, vector<16xi32>,
          %broadcast_in_dim3A_194 = arith.constant false
          %broadcast_in_dim3A_195 = vector.broadcast %broadcast_in_dim3A_194 : i1 to vector<16xi1>
          %while3A_196 = arith.constant 0 : i32
          %while3A_197 = arith.subi %mul3A_103, %while3A_196 : i32
          %while3A_198 = arith.addi %while3A_196, %while3A_197 : i32
          %while3A_199 = arith.constant 1 : i32
          %while3A_200 = arith.divsi %while3A_197, %while3A_199 : i32
          %while3A_201 = arith.muli %while3A_200, %while3A_199 : i32
          %while3A_202 = arith.addi %while3A_196, %while3A_201 : i32
          %while3A_203 = arith.constant 1 : i32
          %while3A_204 = scf.for %while3A_221 = %while3A_196 to %while3A_202 step %while3A_203 iter_args(%while3A_222 = %broadcast_in_dim3A_195) -> (vector<16xi1>)  : i32 {
            %add3A_223 = vector.broadcast %while3A_221 : i32 to vector<16xi32>
            %add3A_224 = arith.addi %broadcast_in_dim3A_2, %add3A_223 : vector<16xi32>
            %gather3A = tpu.vector_load_idx %arg8[%add3A_224] : memref<5024xf32, #tpu.memory_space<vmem>>[vector<16xi32>], vector<16xf32>,
            %gather3A_225 = tpu.vector_load_idx %arg9[%add3A_224] : memref<5024xf32, #tpu.memory_space<vmem>>[vector<16xi32>], vector<16xf32>,
            %gather3A_226 = tpu.vector_load_idx %arg10[%add3A_224] : memref<5024xf32, #tpu.memory_space<vmem>>[vector<16xi32>], vector<16xf32>,
            %gather3A_227 = tpu.vector_load_idx %arg11[%add3A_224] : memref<5024xf32, #tpu.memory_space<vmem>>[vector<16xi32>], vector<16xf32>,
            %gather3A_228 = tpu.vector_load_idx %arg12[%add3A_224] : memref<5024xf32, #tpu.memory_space<vmem>>[vector<16xi32>], vector<16xf32>,
            %gather3A_229 = tpu.vector_load_idx %arg13[%add3A_224] : memref<5024xf32, #tpu.memory_space<vmem>>[vector<16xi32>], vector<16xf32>,
            %gather3A_230 = tpu.vector_load_idx %arg7[%add3A_224] : memref<5024xi32, #tpu.memory_space<vmem>>[vector<16xi32>], vector<16xi32>,
            %min3A_231 = arith.minimumf %get3A_185, %gather3A_226 : vector<16xf32>
            %max3A_232 = arith.maximumf %get3A_181, %gather3A : vector<16xf32>
            %sub3A_233 = arith.subf %min3A_231, %max3A_232 : vector<16xf32>
            %max3A_234 = arith.constant 0.000000e+00 : f32
            %max3A_235 = vector.broadcast %max3A_234 : f32 to vector<16xf32>
            %max3A_236 = arith.maximumf %sub3A_233, %max3A_235 : vector<16xf32>
            %min3A_237 = arith.minimumf %get3A_187, %gather3A_227 : vector<16xf32>
            %max3A_238 = arith.maximumf %get3A_183, %gather3A_225 : vector<16xf32>
            %sub3A_239 = arith.subf %min3A_237, %max3A_238 : vector<16xf32>
            %max3A_240 = arith.constant 0.000000e+00 : f32
            %max3A_241 = vector.broadcast %max3A_240 : f32 to vector<16xf32>
            %max3A_242 = arith.maximumf %sub3A_239, %max3A_241 : vector<16xf32>
            %mul3A_243 = arith.mulf %max3A_236, %max3A_242 : vector<16xf32>
            %add3A_244 = arith.addf %gather3A_229, %get3A_191 : vector<16xf32>
            %sub3A_245 = arith.subf %add3A_244, %mul3A_243 : vector<16xf32>
            %add3A_246 = arith.constant 9.99999971E-10 : f32
            %add3A_247 = vector.broadcast %add3A_246 : f32 to vector<16xf32>
            %add3A_248 = arith.addf %sub3A_245, %add3A_247 : vector<16xf32>
            %div3A_249 = arith.divf %mul3A_243, %add3A_248 : vector<16xf32>
            %gt3A_250 = arith.cmpf ogt, %gather3A_228, %get3A_189 : vector<16xf32>
            %eq3A_251 = arith.cmpf oeq, %gather3A_228, %get3A_189 : vector<16xf32>
            %lt3A = arith.cmpi slt, %gather3A_230, %get3A_193 : vector<16xi32>
            %and3A_252 = arith.andi %eq3A_251, %lt3A : vector<16xi1>
            %or3A = arith.ori %gt3A_250, %and3A_252 : vector<16xi1>
            %gt3A_253 = arith.constant 5.000000e-01 : f32
            %gt3A_254 = vector.broadcast %gt3A_253 : f32 to vector<16xf32>
            %gt3A_255 = arith.cmpf ogt, %div3A_249, %gt3A_254 : vector<16xf32>
            %and3A_256 = arith.andi %gt3A_255, %or3A : vector<16xi1>
            %or3A_257 = arith.ori %while3A_222, %and3A_256 : vector<16xi1>
            scf.yield %or3A_257 : vector<16xi1>
          }
          %while3A_205 = arith.constant 1 : i32
          %while3A_206 = scf.for %while3A_221 = %while3A_202 to %while3A_198 step %while3A_205 iter_args(%while3A_222 = %while3A_204) -> (vector<16xi1>)  : i32 {
            %add3A_223 = vector.broadcast %while3A_221 : i32 to vector<16xi32>
            %add3A_224 = arith.addi %broadcast_in_dim3A_2, %add3A_223 : vector<16xi32>
            %gather3A = tpu.vector_load_idx %arg8[%add3A_224] : memref<5024xf32, #tpu.memory_space<vmem>>[vector<16xi32>], vector<16xf32>,
            %gather3A_225 = tpu.vector_load_idx %arg9[%add3A_224] : memref<5024xf32, #tpu.memory_space<vmem>>[vector<16xi32>], vector<16xf32>,
            %gather3A_226 = tpu.vector_load_idx %arg10[%add3A_224] : memref<5024xf32, #tpu.memory_space<vmem>>[vector<16xi32>], vector<16xf32>,
            %gather3A_227 = tpu.vector_load_idx %arg11[%add3A_224] : memref<5024xf32, #tpu.memory_space<vmem>>[vector<16xi32>], vector<16xf32>,
            %gather3A_228 = tpu.vector_load_idx %arg12[%add3A_224] : memref<5024xf32, #tpu.memory_space<vmem>>[vector<16xi32>], vector<16xf32>,
            %gather3A_229 = tpu.vector_load_idx %arg13[%add3A_224] : memref<5024xf32, #tpu.memory_space<vmem>>[vector<16xi32>], vector<16xf32>,
            %gather3A_230 = tpu.vector_load_idx %arg7[%add3A_224] : memref<5024xi32, #tpu.memory_space<vmem>>[vector<16xi32>], vector<16xi32>,
            %min3A_231 = arith.minimumf %get3A_185, %gather3A_226 : vector<16xf32>
            %max3A_232 = arith.maximumf %get3A_181, %gather3A : vector<16xf32>
            %sub3A_233 = arith.subf %min3A_231, %max3A_232 : vector<16xf32>
            %max3A_234 = arith.constant 0.000000e+00 : f32
            %max3A_235 = vector.broadcast %max3A_234 : f32 to vector<16xf32>
            %max3A_236 = arith.maximumf %sub3A_233, %max3A_235 : vector<16xf32>
            %min3A_237 = arith.minimumf %get3A_187, %gather3A_227 : vector<16xf32>
            %max3A_238 = arith.maximumf %get3A_183, %gather3A_225 : vector<16xf32>
            %sub3A_239 = arith.subf %min3A_237, %max3A_238 : vector<16xf32>
            %max3A_240 = arith.constant 0.000000e+00 : f32
            %max3A_241 = vector.broadcast %max3A_240 : f32 to vector<16xf32>
            %max3A_242 = arith.maximumf %sub3A_239, %max3A_241 : vector<16xf32>
            %mul3A_243 = arith.mulf %max3A_236, %max3A_242 : vector<16xf32>
            %add3A_244 = arith.addf %gather3A_229, %get3A_191 : vector<16xf32>
            %sub3A_245 = arith.subf %add3A_244, %mul3A_243 : vector<16xf32>
            %add3A_246 = arith.constant 9.99999971E-10 : f32
            %add3A_247 = vector.broadcast %add3A_246 : f32 to vector<16xf32>
            %add3A_248 = arith.addf %sub3A_245, %add3A_247 : vector<16xf32>
            %div3A_249 = arith.divf %mul3A_243, %add3A_248 : vector<16xf32>
            %gt3A_250 = arith.cmpf ogt, %gather3A_228, %get3A_189 : vector<16xf32>
            %eq3A_251 = arith.cmpf oeq, %gather3A_228, %get3A_189 : vector<16xf32>
            %lt3A = arith.cmpi slt, %gather3A_230, %get3A_193 : vector<16xi32>
            %and3A_252 = arith.andi %eq3A_251, %lt3A : vector<16xi1>
            %or3A = arith.ori %gt3A_250, %and3A_252 : vector<16xi1>
            %gt3A_253 = arith.constant 5.000000e-01 : f32
            %gt3A_254 = vector.broadcast %gt3A_253 : f32 to vector<16xf32>
            %gt3A_255 = arith.cmpf ogt, %div3A_249, %gt3A_254 : vector<16xf32>
            %and3A_256 = arith.andi %gt3A_255, %or3A : vector<16xi1>
            %or3A_257 = arith.ori %while3A_222, %and3A_256 : vector<16xi1>
            scf.yield %or3A_257 : vector<16xi1>
          }
          %not3A = arith.constant dense<true> : vector<16xi1>
          %not3A_207 = arith.xori %while3A_206, %not3A : vector<16xi1>
          %gt3A = arith.constant 5.000000e-02 : f32
          %gt3A_208 = vector.broadcast %gt3A : f32 to vector<16xf32>
          %gt3A_209 = arith.cmpf ogt, %get3A_189, %gt3A_208 : vector<16xf32>
          %and3A_210 = arith.andi %not3A_207, %gt3A_209 : vector<16xi1>
          %jit3A_211 = arith.constant -1.000000e+09 : f32
          %broadcast_in_dim3A_212 = vector.broadcast %jit3A_211 : f32 to vector<16xf32>
          %select_n3A_213 = arith.select %and3A_210, %get3A_189, %broadcast_in_dim3A_212 : vector<16xi1>, vector<16xf32>
          %swap3A_214 = arith.index_cast %mul3A_180 : i32 to index
          %swap3A_215 = tpu.vector_load %arg14[%swap3A_214] {strides = array<i32>} : memref<5024xf32, #tpu.memory_space<vmem>>, vector<16xf32>,
          tpu.vector_store %arg14[%swap3A_214], %select_n3A_213 {strides = array<i32>} : memref<5024xf32, #tpu.memory_space<vmem>>, vector<16xf32>,
          "tpu.region"() ({
            %run_scoped3A = tpu.sem_alloc : memref<!tpu.dma_semaphore, #tpu.memory_space<semaphore_mem>>
            %dma_start3A = tpu.memref_slice %arg14[%mul3A_180] : memref<5024xf32, #tpu.memory_space<vmem>> -> memref<16xf32, #tpu.memory_space<vmem>>
            %dma_start3A_221 = tpu.memref_slice %arg21[%mul3A_180] : memref<5024xf32, #tpu.memory_space<vmem_shared>> -> memref<16xf32, #tpu.memory_space<vmem_shared>>
            %dma_start3A_222 = tpu.memref_slice %arg21[%mul3A_180] : memref<5024xf32, #tpu.memory_space<vmem_shared>> -> memref<16xf32, #tpu.memory_space<vmem_shared>>
            %dma_start3A_223 = tpu.memref_slice %arg14[%mul3A_180] : memref<5024xf32, #tpu.memory_space<vmem>> -> memref<16xf32, #tpu.memory_space<vmem>>
            tpu.enqueue_dma source(%dma_start3A_223 : memref<16xf32, #tpu.memory_space<vmem>>) target(%dma_start3A_222 : memref<16xf32, #tpu.memory_space<vmem_shared>>) target_semaphore(%run_scoped3A : memref<!tpu.dma_semaphore, #tpu.memory_space<semaphore_mem>>)
            %dma_wait3A = tpu.memref_slice %arg14[%mul3A_180] : memref<5024xf32, #tpu.memory_space<vmem>> -> memref<16xf32, #tpu.memory_space<vmem>>
            %dma_wait3A_224 = tpu.memref_slice %arg21[%mul3A_180] : memref<5024xf32, #tpu.memory_space<vmem_shared>> -> memref<16xf32, #tpu.memory_space<vmem_shared>>
            %dma_wait3A_225 = tpu.memref_slice %arg21[%mul3A_180] : memref<5024xf32, #tpu.memory_space<vmem_shared>> -> memref<16xf32, #tpu.memory_space<vmem_shared>>
            %dma_wait3A_226 = tpu.memref_slice %arg14[%mul3A_180] : memref<5024xf32, #tpu.memory_space<vmem>> -> memref<16xf32, #tpu.memory_space<vmem>>
            tpu.wait_dma2 semaphore(%run_scoped3A : memref<!tpu.dma_semaphore, #tpu.memory_space<semaphore_mem>>) src(%dma_wait3A_226 : memref<16xf32, #tpu.memory_space<vmem>>) dst(%dma_wait3A_225 : memref<16xf32, #tpu.memory_space<vmem_shared>>)
            tpu.yield
          }) : () -> ()
          %convert_element_type3A_216 = arith.extui %and3A_210 : vector<16xi1> to vector<16xi32>
          %reduce_sum3A = arith.constant true
          %reduce_sum3A_217 = vector.broadcast %reduce_sum3A : i1 to vector<16xi1>
          %reduce_sum3A_218 = tpu.scan <sum>, %convert_element_type3A_216 masked %reduce_sum3A_217 : vector<16xi32>, vector<16xi1> -> vector<16xi32>
          %reduce_sum3A_219 = vector.extract %reduce_sum3A_218[15] : i32 from vector<16xi32>
          %add3A_220 = arith.addi %while3A_175, %reduce_sum3A_219 : i32
          scf.yield %add3A_220 : i32
        }
        %add3A_146 = vector.broadcast %while3A_145 : i32 to vector<16xi32>
        %add3A_147 = arith.addi %broadcast_in_dim3A_2, %add3A_146 : vector<16xi32>
        %swap3A_148 = arith.constant 0 : index
        %swap3A_149 = tpu.vector_load %arg15[%swap3A_148] {strides = array<i32>} : memref<272xi32, #tpu.memory_space<vmem>>, vector<16xi32>,
        tpu.vector_store %arg15[%swap3A_148], %add3A_147 {strides = array<i32>} : memref<272xi32, #tpu.memory_space<vmem>>, vector<16xi32>,
        %mul3A_150 = arith.constant 16 : i32
        %mul3A_151 = arith.muli %arg1, %mul3A_150 : i32
        %add3A_152 = arith.constant 256 : i32
        %add3A_153 = arith.addi %add3A_152, %mul3A_151 : i32
        "tpu.region"() ({
          %run_scoped3A = tpu.sem_alloc : memref<!tpu.dma_semaphore, #tpu.memory_space<semaphore_mem>>
          %dma_start3A = arith.constant 0 : i32
          %dma_start3A_174 = tpu.memref_slice %arg15[%dma_start3A] : memref<272xi32, #tpu.memory_space<vmem>> -> memref<16xi32, #tpu.memory_space<vmem>>
          %dma_start3A_175 = tpu.memref_slice %arg22[%add3A_153] : memref<512xi32, #tpu.memory_space<vmem_shared>> -> memref<16xi32, #tpu.memory_space<vmem_shared>>
          %dma_start3A_176 = tpu.memref_slice %arg22[%add3A_153] : memref<512xi32, #tpu.memory_space<vmem_shared>> -> memref<16xi32, #tpu.memory_space<vmem_shared>>
          %dma_start3A_177 = arith.constant 0 : i32
          %dma_start3A_178 = tpu.memref_slice %arg15[%dma_start3A_177] : memref<272xi32, #tpu.memory_space<vmem>> -> memref<16xi32, #tpu.memory_space<vmem>>
          tpu.enqueue_dma source(%dma_start3A_178 : memref<16xi32, #tpu.memory_space<vmem>>) target(%dma_start3A_176 : memref<16xi32, #tpu.memory_space<vmem_shared>>) target_semaphore(%run_scoped3A : memref<!tpu.dma_semaphore, #tpu.memory_space<semaphore_mem>>)
          %dma_wait3A = arith.constant 0 : i32
          %dma_wait3A_179 = tpu.memref_slice %arg15[%dma_wait3A] : memref<272xi32, #tpu.memory_space<vmem>> -> memref<16xi32, #tpu.memory_space<vmem>>
          %dma_wait3A_180 = tpu.memref_slice %arg22[%add3A_153] : memref<512xi32, #tpu.memory_space<vmem_shared>> -> memref<16xi32, #tpu.memory_space<vmem_shared>>
          %dma_wait3A_181 = tpu.memref_slice %arg22[%add3A_153] : memref<512xi32, #tpu.memory_space<vmem_shared>> -> memref<16xi32, #tpu.memory_space<vmem_shared>>
          %dma_wait3A_182 = arith.constant 0 : i32
          %dma_wait3A_183 = tpu.memref_slice %arg15[%dma_wait3A_182] : memref<272xi32, #tpu.memory_space<vmem>> -> memref<16xi32, #tpu.memory_space<vmem>>
          tpu.wait_dma2 semaphore(%run_scoped3A : memref<!tpu.dma_semaphore, #tpu.memory_space<semaphore_mem>>) src(%dma_wait3A_183 : memref<16xi32, #tpu.memory_space<vmem>>) dst(%dma_wait3A_181 : memref<16xi32, #tpu.memory_space<vmem_shared>>)
          tpu.yield
        }) : () -> ()
        %barrier3A_154 = arith.constant 0 : index
        tpu.barrier barrier_id(%barrier3A_154)
        "tpu.region"() ({
          %run_scoped3A = tpu.sem_alloc : memref<!tpu.dma_semaphore, #tpu.memory_space<semaphore_mem>>
          %dma_start3A = arith.constant 16 : i32
          %dma_start3A_174 = tpu.memref_slice %arg15[%dma_start3A] : memref<272xi32, #tpu.memory_space<vmem>> -> memref<256xi32, #tpu.memory_space<vmem>>
          %dma_start3A_175 = arith.constant 256 : i32
          %dma_start3A_176 = tpu.memref_slice %arg22[%dma_start3A_175] : memref<512xi32, #tpu.memory_space<vmem_shared>> -> memref<256xi32, #tpu.memory_space<vmem_shared>>
          %dma_start3A_177 = arith.constant 16 : i32
          %dma_start3A_178 = tpu.memref_slice %arg15[%dma_start3A_177] : memref<272xi32, #tpu.memory_space<vmem>> -> memref<256xi32, #tpu.memory_space<vmem>>
          %dma_start3A_179 = arith.constant 256 : i32
          %dma_start3A_180 = tpu.memref_slice %arg22[%dma_start3A_179] : memref<512xi32, #tpu.memory_space<vmem_shared>> -> memref<256xi32, #tpu.memory_space<vmem_shared>>
          tpu.enqueue_dma source(%dma_start3A_180 : memref<256xi32, #tpu.memory_space<vmem_shared>>) target(%dma_start3A_178 : memref<256xi32, #tpu.memory_space<vmem>>) target_semaphore(%run_scoped3A : memref<!tpu.dma_semaphore, #tpu.memory_space<semaphore_mem>>)
          %dma_wait3A = arith.constant 16 : i32
          %dma_wait3A_181 = tpu.memref_slice %arg15[%dma_wait3A] : memref<272xi32, #tpu.memory_space<vmem>> -> memref<256xi32, #tpu.memory_space<vmem>>
          %dma_wait3A_182 = arith.constant 256 : i32
          %dma_wait3A_183 = tpu.memref_slice %arg22[%dma_wait3A_182] : memref<512xi32, #tpu.memory_space<vmem_shared>> -> memref<256xi32, #tpu.memory_space<vmem_shared>>
          %dma_wait3A_184 = arith.constant 16 : i32
          %dma_wait3A_185 = tpu.memref_slice %arg15[%dma_wait3A_184] : memref<272xi32, #tpu.memory_space<vmem>> -> memref<256xi32, #tpu.memory_space<vmem>>
          %dma_wait3A_186 = arith.constant 256 : i32
          %dma_wait3A_187 = tpu.memref_slice %arg22[%dma_wait3A_186] : memref<512xi32, #tpu.memory_space<vmem_shared>> -> memref<256xi32, #tpu.memory_space<vmem_shared>>
          tpu.wait_dma2 semaphore(%run_scoped3A : memref<!tpu.dma_semaphore, #tpu.memory_space<semaphore_mem>>) src(%dma_wait3A_187 : memref<256xi32, #tpu.memory_space<vmem_shared>>) dst(%dma_wait3A_185 : memref<256xi32, #tpu.memory_space<vmem>>)
          tpu.yield
        }) : () -> ()
        %scan3A_155 = arith.constant 0 : i32
        %scan3A_156 = arith.constant 16 : i32
        %scan3A_157 = arith.addi %scan3A_155, %scan3A_156 : i32
        %scan3A_158 = arith.constant 1 : i32
        %scan3A_159 = scf.for %scan3A_174 = %scan3A_155 to %scan3A_157 step %scan3A_158 iter_args(%scan3A_175 = %broadcast_in_dim3A_2) -> (vector<16xi32>)  : i32 {
          %mul3A_176 = arith.constant 16 : i32
          %mul3A_177 = arith.muli %scan3A_174, %mul3A_176 : i32
          %add3A_178 = arith.constant 16 : i32
          %add3A_179 = arith.addi %add3A_178, %mul3A_177 : i32
          %get3A = arith.index_cast %add3A_179 : i32 to index
          %get3A_180 = tpu.vector_load %arg15[%get3A] {strides = array<i32>} : memref<272xi32, #tpu.memory_space<vmem>>, vector<16xi32>,
          %add3A_181 = arith.addi %scan3A_175, %get3A_180 : vector<16xi32>
          scf.yield %add3A_181 : vector<16xi32>
        }
        %scan3A_160 = arith.constant 16 : i32
        %reduce_max3A_161 = arith.constant true
        %reduce_max3A_162 = vector.broadcast %reduce_max3A_161 : i1 to vector<16xi1>
        %reduce_max3A_163 = arith.constant -2147483648 : i32
        %reduce_max3A_164 = vector.broadcast %reduce_max3A_163 : i32 to vector<16xi32>
        %reduce_max3A_165 = arith.xori %scan3A_159, %reduce_max3A_164 : vector<16xi32>
        %reduce_max3A_166 = tpu.scan <max>, %reduce_max3A_165 masked %reduce_max3A_162 : vector<16xi32>, vector<16xi1> -> vector<16xi32>
        %reduce_max3A_167 = arith.xori %reduce_max3A_166, %reduce_max3A_164 : vector<16xi32>
        %reduce_max3A_168 = vector.extract %reduce_max3A_167[15] : i32 from vector<16xi32>
        %barrier3A_169 = arith.constant 0 : index
        tpu.barrier barrier_id(%barrier3A_169)
        %sub3A_170 = arith.constant 5.000000e-02 : f32
        %sub3A_171 = arith.subf %while3A_19, %sub3A_170 : f32
        %max3A_172 = arith.constant 5.000000e-02 : f32
        %max3A_173 = arith.maximumf %sub3A_171, %max3A_172 : f32
        scf.yield %max3A_173, %while3A_19, %select_n3A, %reduce_max3A_168 : f32, f32, i32, i32
      }
      %eq3A_14 = arith.constant 0 : i32
      %eq3A_15 = arith.cmpi eq, %arg1, %eq3A_14 : i32
      %convert_element_type3A_16 = arith.extui %eq3A_15 : i1 to i32
      %cond3A_17 = arith.constant 0 : i32
      %cond3A_18 = arith.cmpi ne, %convert_element_type3A_16, %cond3A_17 : i32
      scf.if %cond3A_18 {
        "tpu.region"() ({
          %run_scoped3A = tpu.sem_alloc : memref<!tpu.dma_semaphore, #tpu.memory_space<semaphore_mem>>
          tpu.enqueue_dma source(%arg21 : memref<5024xf32, #tpu.memory_space<vmem_shared>>) target(%arg14 : memref<5024xf32, #tpu.memory_space<vmem>>) target_semaphore(%run_scoped3A : memref<!tpu.dma_semaphore, #tpu.memory_space<semaphore_mem>>)
          tpu.wait_dma2 semaphore(%run_scoped3A : memref<!tpu.dma_semaphore, #tpu.memory_space<semaphore_mem>>) src(%arg21 : memref<5024xf32, #tpu.memory_space<vmem_shared>>) dst(%arg14 : memref<5024xf32, #tpu.memory_space<vmem>>)
          tpu.yield
        }) : () -> ()
        %min3A = arith.constant 3 : i32
        %min3A_19 = vector.broadcast %min3A : i32 to vector<16xi32>
        %min3A_20 = arith.minsi %iota3A, %min3A_19 : vector<16xi32>
        %le3A = arith.constant 16 : i32
        %le3A_21 = arith.cmpi sle, %while3A_13#2, %le3A : i32
        %convert_element_type3A_22 = arith.extui %le3A_21 : i1 to i32
        %cond3A_23 = arith.constant 0 : i32
        %cond3A_24 = arith.cmpi ne, %convert_element_type3A_22, %cond3A_23 : i32
        scf.if %cond3A_24 {
          %add3A_29 = arith.constant -1.000000e+09 : f32
          %add3A_30 = vector.broadcast %add3A_29 : f32 to vector<16xf32>
          %add3A_31 = arith.addf %broadcast_in_dim3A_4, %add3A_30 : vector<16xf32>
          %while3A_32 = arith.constant 0 : i32
          %while3A_33 = arith.subi %while3A_13#2, %while3A_32 : i32
          %while3A_34 = arith.addi %while3A_32, %while3A_33 : i32
          %while3A_35 = arith.constant 1 : i32
          %while3A_36 = arith.divsi %while3A_33, %while3A_35 : i32
          %while3A_37 = arith.muli %while3A_36, %while3A_35 : i32
          %while3A_38 = arith.addi %while3A_32, %while3A_37 : i32
          %while3A_39 = arith.constant 1 : i32
          %while3A_40 = scf.for %while3A_48 = %while3A_32 to %while3A_38 step %while3A_39 iter_args(%while3A_49 = %add3A_31) -> (vector<16xf32>)  : i32 {
            %mul3A = arith.constant 16 : i32
            %mul3A_50 = arith.muli %while3A_48, %mul3A : i32
            %get3A = arith.index_cast %mul3A_50 : i32 to index
            %get3A_51 = tpu.vector_load %arg14[%get3A] {strides = array<i32>} : memref<5024xf32, #tpu.memory_space<vmem>>, vector<16xf32>,
            %reduce_max3A = arith.constant true
            %reduce_max3A_52 = vector.broadcast %reduce_max3A : i1 to vector<16xi1>
            %reduce_max3A_53 = tpu.scan <max>, %get3A_51 masked %reduce_max3A_52 : vector<16xf32>, vector<16xi1> -> vector<16xf32>
            %reduce_max3A_54 = vector.extract %reduce_max3A_53[15] : f32 from vector<16xf32>
            %eq3A_55 = vector.broadcast %while3A_48 : i32 to vector<16xi32>
            %eq3A_56 = arith.cmpi eq, %iota3A, %eq3A_55 : vector<16xi32>
            %broadcast_in_dim3A_57 = vector.broadcast %reduce_max3A_54 : f32 to vector<16xf32>
            %select_n3A = arith.select %eq3A_56, %broadcast_in_dim3A_57, %while3A_49 : vector<16xi1>, vector<16xf32>
            scf.yield %select_n3A : vector<16xf32>
          }
          %while3A_41 = arith.constant 1 : i32
          %while3A_42 = scf.for %while3A_48 = %while3A_38 to %while3A_34 step %while3A_41 iter_args(%while3A_49 = %while3A_40) -> (vector<16xf32>)  : i32 {
            %mul3A = arith.constant 16 : i32
            %mul3A_50 = arith.muli %while3A_48, %mul3A : i32
            %get3A = arith.index_cast %mul3A_50 : i32 to index
            %get3A_51 = tpu.vector_load %arg14[%get3A] {strides = array<i32>} : memref<5024xf32, #tpu.memory_space<vmem>>, vector<16xf32>,
            %reduce_max3A = arith.constant true
            %reduce_max3A_52 = vector.broadcast %reduce_max3A : i1 to vector<16xi1>
            %reduce_max3A_53 = tpu.scan <max>, %get3A_51 masked %reduce_max3A_52 : vector<16xf32>, vector<16xi1> -> vector<16xf32>
            %reduce_max3A_54 = vector.extract %reduce_max3A_53[15] : f32 from vector<16xf32>
            %eq3A_55 = vector.broadcast %while3A_48 : i32 to vector<16xi32>
            %eq3A_56 = arith.cmpi eq, %iota3A, %eq3A_55 : vector<16xi32>
            %broadcast_in_dim3A_57 = vector.broadcast %reduce_max3A_54 : f32 to vector<16xf32>
            %select_n3A = arith.select %eq3A_56, %broadcast_in_dim3A_57, %while3A_49 : vector<16xi1>, vector<16xf32>
            scf.yield %select_n3A : vector<16xf32>
          }
          %scan3A = arith.constant 0 : i32
          %scan3A_43 = arith.constant 100 : i32
          %scan3A_44 = arith.addi %scan3A, %scan3A_43 : i32
          %scan3A_45 = arith.constant 1 : i32
          %scan3A_46 = scf.for %scan3A_48 = %scan3A to %scan3A_44 step %scan3A_45 iter_args(%scan3A_49 = %while3A_42) -> (vector<16xf32>)  : i32 {
            %reduce_max3A = arith.constant true
            %reduce_max3A_50 = vector.broadcast %reduce_max3A : i1 to vector<16xi1>
            %reduce_max3A_51 = tpu.scan <max>, %scan3A_49 masked %reduce_max3A_50 : vector<16xf32>, vector<16xi1> -> vector<16xf32>
            %reduce_max3A_52 = vector.extract %reduce_max3A_51[15] : f32 from vector<16xf32>
            %gt3A_53 = arith.constant -1.000000e+08 : f32
            %gt3A_54 = arith.cmpf ogt, %reduce_max3A_52, %gt3A_53 : f32
            %eq3A_55 = vector.broadcast %reduce_max3A_52 : f32 to vector<16xf32>
            %eq3A_56 = arith.cmpf oeq, %scan3A_49, %eq3A_55 : vector<16xf32>
            %all_reduce_ffs3A = tpu.all_reduce %eq3A_56 {dim = 0 : i64, kind = #tpu.reduction_kind<find_first_set>} : vector<16xi1> -> vector<16xi32>
            %mul3A = arith.constant 16 : i32
            %mul3A_57 = vector.broadcast %mul3A : i32 to vector<16xi32>
            %mul3A_58 = arith.muli %all_reduce_ffs3A, %mul3A_57 : vector<16xi32>
            %add3A_59 = arith.addi %mul3A_58, %iota3A : vector<16xi32>
            %gather3A = tpu.vector_load_idx %arg14[%add3A_59] : memref<5024xf32, #tpu.memory_space<vmem>>[vector<16xi32>], vector<16xf32>,
            %gather3A_60 = tpu.vector_load_idx %arg7[%add3A_59] : memref<5024xi32, #tpu.memory_space<vmem>>[vector<16xi32>], vector<16xi32>,
            %eq3A_61 = vector.broadcast %reduce_max3A_52 : f32 to vector<16xf32>
            %eq3A_62 = arith.cmpf oeq, %gather3A, %eq3A_61 : vector<16xf32>
            %all_reduce_ffs3A_63 = tpu.all_reduce %eq3A_62 {dim = 0 : i64, kind = #tpu.reduction_kind<find_first_set>} : vector<16xi1> -> vector<16xi32>
            %mul3A_64 = arith.constant 16 : i32
            %mul3A_65 = vector.broadcast %mul3A_64 : i32 to vector<16xi32>
            %mul3A_66 = arith.muli %all_reduce_ffs3A, %mul3A_65 : vector<16xi32>
            %add3A_67 = arith.addi %mul3A_66, %all_reduce_ffs3A_63 : vector<16xi32>
            %gather3A_68 = tpu.vector_load_idx %arg7[%add3A_67] : memref<5024xi32, #tpu.memory_space<vmem>>[vector<16xi32>], vector<16xi32>,
            %eq3A_69 = arith.cmpi eq, %iota3A, %all_reduce_ffs3A_63 : vector<16xi32>
            %jit3A = arith.constant -1.000000e+09 : f32
            %broadcast_in_dim3A_70 = vector.broadcast %jit3A : f32 to vector<16xf32>
            %select_n3A = arith.select %eq3A_69, %broadcast_in_dim3A_70, %gather3A : vector<16xi1>, vector<16xf32>
            tpu.vector_store_idx %arg14[%add3A_59], %select_n3A : memref<5024xf32, #tpu.memory_space<vmem>>[vector<16xi32>], vector<16xf32>,
            %reduce_max3A_71 = arith.constant true
            %reduce_max3A_72 = vector.broadcast %reduce_max3A_71 : i1 to vector<16xi1>
            %reduce_max3A_73 = tpu.scan <max>, %select_n3A masked %reduce_max3A_72 : vector<16xf32>, vector<16xi1> -> vector<16xf32>
            %reduce_max3A_74 = vector.extract %reduce_max3A_73[15] : f32 from vector<16xf32>
            %eq3A_75 = arith.cmpi eq, %iota3A, %all_reduce_ffs3A : vector<16xi32>
            %broadcast_in_dim3A_76 = vector.broadcast %reduce_max3A_74 : f32 to vector<16xf32>
            %select_n3A_77 = arith.select %eq3A_75, %broadcast_in_dim3A_76, %scan3A_49 : vector<16xi1>, vector<16xf32>
            %jit3A_78 = arith.constant 5000 : i32
            %broadcast_in_dim3A_79 = vector.broadcast %jit3A_78 : i32 to vector<16xi32>
            %select_n3A_80 = arith.select %gt3A_54, %gather3A_68, %broadcast_in_dim3A_79 : vector<16xi32>
            %mul3A_81 = arith.constant 4 : i32
            %mul3A_82 = vector.broadcast %mul3A_81 : i32 to vector<16xi32>
            %mul3A_83 = arith.muli %select_n3A_80, %mul3A_82 : vector<16xi32>
            %add3A_84 = arith.addi %mul3A_83, %min3A_20 : vector<16xi32>
            %gather3A_85 = tpu.vector_load_idx %arg6[%add3A_84] : memref<20064xf32, #tpu.memory_space<vmem>>[vector<16xi32>], vector<16xf32>,
            %jit3A_86 = arith.constant 0.000000e+00 : f32
            %select_n3A_87 = arith.select %gt3A_54, %reduce_max3A_52, %jit3A_86 : f32
            %lt3A = arith.constant 4 : i32
            %lt3A_88 = vector.broadcast %lt3A : i32 to vector<16xi32>
            %lt3A_89 = arith.cmpi slt, %iota3A, %lt3A_88 : vector<16xi32>
            %eq3A_90 = arith.constant 4 : i32
            %eq3A_91 = vector.broadcast %eq3A_90 : i32 to vector<16xi32>
            %eq3A_92 = arith.cmpi eq, %iota3A, %eq3A_91 : vector<16xi32>
            %jit3A_93 = arith.constant 0.000000e+00 : f32
            %broadcast_in_dim3A_94 = vector.broadcast %select_n3A_87 : f32 to vector<16xf32>
            %broadcast_in_dim3A_95 = vector.broadcast %jit3A_93 : f32 to vector<16xf32>
            %select_n3A_96 = arith.select %eq3A_92, %broadcast_in_dim3A_94, %broadcast_in_dim3A_95 : vector<16xi1>, vector<16xf32>
            %select_n3A_97 = arith.select %lt3A_89, %gather3A_85, %select_n3A_96 : vector<16xi1>, vector<16xf32>
            %mul3A_98 = arith.constant 5 : i32
            %mul3A_99 = arith.muli %scan3A_48, %mul3A_98 : i32
            %add3A_100 = vector.broadcast %mul3A_99 : i32 to vector<16xi32>
            %add3A_101 = arith.addi %add3A_100, %iota3A : vector<16xi32>
            %lt3A_102 = arith.constant 5 : i32
            %lt3A_103 = vector.broadcast %lt3A_102 : i32 to vector<16xi32>
            %lt3A_104 = arith.cmpi slt, %iota3A, %lt3A_103 : vector<16xi32>
            tpu.vector_store_idx %arg20[%add3A_101], %select_n3A_97 masked %lt3A_104 : memref<512xf32, #tpu.memory_space<vmem>>[vector<16xi32>], vector<16xf32>, vector<16xi1>
            scf.yield %select_n3A_77 : vector<16xf32>
          }
          %scan3A_47 = arith.constant 100 : i32
        } else {
        }
        %gt3A = arith.constant 16 : i32
        %gt3A_25 = arith.cmpi sgt, %while3A_13#2, %gt3A : i32
        %convert_element_type3A_26 = arith.extui %gt3A_25 : i1 to i32
        %cond3A_27 = arith.constant 0 : i32
        %cond3A_28 = arith.cmpi ne, %convert_element_type3A_26, %cond3A_27 : i32
        scf.if %cond3A_28 {
          %add3A_29 = arith.constant 15 : i32
          %add3A_30 = arith.addi %while3A_13#2, %add3A_29 : i32
          %jit3A = arith.constant 16 : i32
          %div3A = arith.divsi %add3A_30, %jit3A : i32
          %sign3A = arith.constant 0 : i32
          %sign3A_31 = arith.cmpi sgt, %add3A_30, %sign3A : i32
          %sign3A_32 = arith.extui %sign3A_31 : i1 to i32
          %sign3A_33 = arith.constant 0 : i32
          %sign3A_34 = arith.cmpi slt, %add3A_30, %sign3A_33 : i32
          %sign3A_35 = arith.extui %sign3A_34 : i1 to i32
          %sign3A_36 = arith.subi %sign3A_32, %sign3A_35 : i32
          %sign3A_37 = arith.constant 0 : i32
          %sign3A_38 = arith.cmpi sgt, %jit3A, %sign3A_37 : i32
          %sign3A_39 = arith.extui %sign3A_38 : i1 to i32
          %sign3A_40 = arith.constant 0 : i32
          %sign3A_41 = arith.cmpi slt, %jit3A, %sign3A_40 : i32
          %sign3A_42 = arith.extui %sign3A_41 : i1 to i32
          %sign3A_43 = arith.subi %sign3A_39, %sign3A_42 : i32
          %ne3A = arith.cmpi ne, %sign3A_36, %sign3A_43 : i32
          %rem3A = arith.remsi %add3A_30, %jit3A : i32
          %ne3A_44 = arith.constant 0 : i32
          %ne3A_45 = arith.cmpi ne, %rem3A, %ne3A_44 : i32
          %and3A = arith.andi %ne3A, %ne3A_45 : i1
          %sub3A = arith.constant 1 : i32
          %sub3A_46 = arith.subi %div3A, %sub3A : i32
          %select_n3A = arith.select %and3A, %sub3A_46, %div3A : i32
          %while3A_47 = arith.constant 0 : i32
          %while3A_48 = arith.constant 0 : i32
          %while3A_49 = arith.subi %select_n3A, %while3A_47 : i32
          %while3A_50 = arith.addi %while3A_47, %while3A_49 : i32
          %while3A_51 = arith.constant 1 : i32
          %while3A_52 = arith.divsi %while3A_49, %while3A_51 : i32
          %while3A_53 = arith.muli %while3A_52, %while3A_51 : i32
          %while3A_54 = arith.addi %while3A_47, %while3A_53 : i32
          %while3A_55 = arith.constant 1 : i32
          %while3A_56 = scf.for %while3A_65 = %while3A_47 to %while3A_54 step %while3A_55 iter_args(%while3A_66 = %while3A_48) -> (i32)  : i32 {
            %add3A_67 = arith.constant -1.000000e+09 : f32
            %add3A_68 = vector.broadcast %add3A_67 : f32 to vector<16xf32>
            %add3A_69 = arith.addf %broadcast_in_dim3A_4, %add3A_68 : vector<16xf32>
            %scan3A_70 = arith.constant 0 : i32
            %scan3A_71 = arith.constant 16 : i32
            %scan3A_72 = arith.addi %scan3A_70, %scan3A_71 : i32
            %scan3A_73 = arith.constant 1 : i32
            %scan3A_74 = scf.for %scan3A_80 = %scan3A_70 to %scan3A_72 step %scan3A_73 iter_args(%scan3A_81 = %add3A_69) -> (vector<16xf32>)  : i32 {
              %mul3A_82 = arith.constant 16 : i32
              %mul3A_83 = arith.muli %while3A_65, %mul3A_82 : i32
              %add3A_84 = arith.addi %mul3A_83, %scan3A_80 : i32
              %lt3A = arith.cmpi slt, %add3A_84, %while3A_13#2 : i32
              %min3A_85 = arith.constant 313 : i32
              %min3A_86 = arith.minsi %add3A_84, %min3A_85 : i32
              %mul3A_87 = arith.constant 16 : i32
              %mul3A_88 = arith.muli %min3A_86, %mul3A_87 : i32
              %get3A = arith.index_cast %mul3A_88 : i32 to index
              %get3A_89 = tpu.vector_load %arg14[%get3A] {strides = array<i32>} : memref<5024xf32, #tpu.memory_space<vmem>>, vector<16xf32>,
              %reduce_max3A = arith.constant true
              %reduce_max3A_90 = vector.broadcast %reduce_max3A : i1 to vector<16xi1>
              %reduce_max3A_91 = tpu.scan <max>, %get3A_89 masked %reduce_max3A_90 : vector<16xf32>, vector<16xi1> -> vector<16xf32>
              %reduce_max3A_92 = vector.extract %reduce_max3A_91[15] : f32 from vector<16xf32>
              %jit3A_93 = arith.constant -1.000000e+09 : f32
              %select_n3A_94 = arith.select %lt3A, %reduce_max3A_92, %jit3A_93 : f32
              %eq3A_95 = vector.broadcast %scan3A_80 : i32 to vector<16xi32>
              %eq3A_96 = arith.cmpi eq, %iota3A, %eq3A_95 : vector<16xi32>
              %broadcast_in_dim3A_97 = vector.broadcast %select_n3A_94 : f32 to vector<16xf32>
              %select_n3A_98 = arith.select %eq3A_96, %broadcast_in_dim3A_97, %scan3A_81 : vector<16xi1>, vector<16xf32>
              scf.yield %select_n3A_98 : vector<16xf32>
            }
            %scan3A_75 = arith.constant 16 : i32
            %mul3A = arith.constant 16 : i32
            %mul3A_76 = arith.muli %while3A_65, %mul3A : i32
            %swap3A_77 = arith.index_cast %mul3A_76 : i32 to index
            %swap3A_78 = tpu.vector_load %arg19[%swap3A_77] {strides = array<i32>} : memref<352xf32, #tpu.memory_space<vmem>>, vector<16xf32>,
            tpu.vector_store %arg19[%swap3A_77], %scan3A_74 {strides = array<i32>} : memref<352xf32, #tpu.memory_space<vmem>>, vector<16xf32>,
            %while3A_79 = arith.constant 0 : i32
            scf.yield %while3A_79 : i32
          }
          %while3A_57 = arith.constant 1 : i32
          %while3A_58 = scf.for %while3A_65 = %while3A_54 to %while3A_50 step %while3A_57 iter_args(%while3A_66 = %while3A_56) -> (i32)  : i32 {
            %add3A_67 = arith.constant -1.000000e+09 : f32
            %add3A_68 = vector.broadcast %add3A_67 : f32 to vector<16xf32>
            %add3A_69 = arith.addf %broadcast_in_dim3A_4, %add3A_68 : vector<16xf32>
            %scan3A_70 = arith.constant 0 : i32
            %scan3A_71 = arith.constant 16 : i32
            %scan3A_72 = arith.addi %scan3A_70, %scan3A_71 : i32
            %scan3A_73 = arith.constant 1 : i32
            %scan3A_74 = scf.for %scan3A_80 = %scan3A_70 to %scan3A_72 step %scan3A_73 iter_args(%scan3A_81 = %add3A_69) -> (vector<16xf32>)  : i32 {
              %mul3A_82 = arith.constant 16 : i32
              %mul3A_83 = arith.muli %while3A_65, %mul3A_82 : i32
              %add3A_84 = arith.addi %mul3A_83, %scan3A_80 : i32
              %lt3A = arith.cmpi slt, %add3A_84, %while3A_13#2 : i32
              %min3A_85 = arith.constant 313 : i32
              %min3A_86 = arith.minsi %add3A_84, %min3A_85 : i32
              %mul3A_87 = arith.constant 16 : i32
              %mul3A_88 = arith.muli %min3A_86, %mul3A_87 : i32
              %get3A = arith.index_cast %mul3A_88 : i32 to index
              %get3A_89 = tpu.vector_load %arg14[%get3A] {strides = array<i32>} : memref<5024xf32, #tpu.memory_space<vmem>>, vector<16xf32>,
              %reduce_max3A = arith.constant true
              %reduce_max3A_90 = vector.broadcast %reduce_max3A : i1 to vector<16xi1>
              %reduce_max3A_91 = tpu.scan <max>, %get3A_89 masked %reduce_max3A_90 : vector<16xf32>, vector<16xi1> -> vector<16xf32>
              %reduce_max3A_92 = vector.extract %reduce_max3A_91[15] : f32 from vector<16xf32>
              %jit3A_93 = arith.constant -1.000000e+09 : f32
              %select_n3A_94 = arith.select %lt3A, %reduce_max3A_92, %jit3A_93 : f32
              %eq3A_95 = vector.broadcast %scan3A_80 : i32 to vector<16xi32>
              %eq3A_96 = arith.cmpi eq, %iota3A, %eq3A_95 : vector<16xi32>
              %broadcast_in_dim3A_97 = vector.broadcast %select_n3A_94 : f32 to vector<16xf32>
              %select_n3A_98 = arith.select %eq3A_96, %broadcast_in_dim3A_97, %scan3A_81 : vector<16xi1>, vector<16xf32>
              scf.yield %select_n3A_98 : vector<16xf32>
            }
            %scan3A_75 = arith.constant 16 : i32
            %mul3A = arith.constant 16 : i32
            %mul3A_76 = arith.muli %while3A_65, %mul3A : i32
            %swap3A_77 = arith.index_cast %mul3A_76 : i32 to index
            %swap3A_78 = tpu.vector_load %arg19[%swap3A_77] {strides = array<i32>} : memref<352xf32, #tpu.memory_space<vmem>>, vector<16xf32>,
            tpu.vector_store %arg19[%swap3A_77], %scan3A_74 {strides = array<i32>} : memref<352xf32, #tpu.memory_space<vmem>>, vector<16xf32>,
            %while3A_79 = arith.constant 0 : i32
            scf.yield %while3A_79 : i32
          }
          %scan3A = arith.constant 0 : i32
          %scan3A_59 = arith.constant 0 : i32
          %scan3A_60 = arith.constant 100 : i32
          %scan3A_61 = arith.addi %scan3A_59, %scan3A_60 : i32
          %scan3A_62 = arith.constant 1 : i32
          %scan3A_63 = scf.for %scan3A_65 = %scan3A_59 to %scan3A_61 step %scan3A_62 iter_args(%scan3A_66 = %scan3A) -> (i32)  : i32 {
            %while3A_67 = arith.constant 0 : i32
            %while3A_68 = arith.constant -1.000000e+09 : f32
            %while3A_69 = arith.subi %select_n3A, %while3A_67 : i32
            %while3A_70 = arith.addi %while3A_67, %while3A_69 : i32
            %while3A_71 = arith.constant 1 : i32
            %while3A_72 = arith.divsi %while3A_69, %while3A_71 : i32
            %while3A_73 = arith.muli %while3A_72, %while3A_71 : i32
            %while3A_74 = arith.addi %while3A_67, %while3A_73 : i32
            %while3A_75 = arith.constant 1 : i32
            %while3A_76 = scf.for %while3A_185 = %while3A_67 to %while3A_74 step %while3A_75 iter_args(%while3A_186 = %while3A_68) -> (f32)  : i32 {
              %mul3A_187 = arith.constant 16 : i32
              %mul3A_188 = arith.muli %while3A_185, %mul3A_187 : i32
              %get3A_189 = arith.index_cast %mul3A_188 : i32 to index
              %get3A_190 = tpu.vector_load %arg19[%get3A_189] {strides = array<i32>} : memref<352xf32, #tpu.memory_space<vmem>>, vector<16xf32>,
              %reduce_max3A_191 = arith.constant true
              %reduce_max3A_192 = vector.broadcast %reduce_max3A_191 : i1 to vector<16xi1>
              %reduce_max3A_193 = tpu.scan <max>, %get3A_190 masked %reduce_max3A_192 : vector<16xf32>, vector<16xi1> -> vector<16xf32>
              %reduce_max3A_194 = vector.extract %reduce_max3A_193[15] : f32 from vector<16xf32>
              %max3A = arith.maximumf %while3A_186, %reduce_max3A_194 : f32
              scf.yield %max3A : f32
            }
            %while3A_77 = arith.constant 1 : i32
            %while3A_78 = scf.for %while3A_185 = %while3A_74 to %while3A_70 step %while3A_77 iter_args(%while3A_186 = %while3A_76) -> (f32)  : i32 {
              %mul3A_187 = arith.constant 16 : i32
              %mul3A_188 = arith.muli %while3A_185, %mul3A_187 : i32
              %get3A_189 = arith.index_cast %mul3A_188 : i32 to index
              %get3A_190 = tpu.vector_load %arg19[%get3A_189] {strides = array<i32>} : memref<352xf32, #tpu.memory_space<vmem>>, vector<16xf32>,
              %reduce_max3A_191 = arith.constant true
              %reduce_max3A_192 = vector.broadcast %reduce_max3A_191 : i1 to vector<16xi1>
              %reduce_max3A_193 = tpu.scan <max>, %get3A_190 masked %reduce_max3A_192 : vector<16xf32>, vector<16xi1> -> vector<16xf32>
              %reduce_max3A_194 = vector.extract %reduce_max3A_193[15] : f32 from vector<16xf32>
              %max3A = arith.maximumf %while3A_186, %reduce_max3A_194 : f32
              scf.yield %max3A : f32
            }
            %gt3A_79 = arith.constant -1.000000e+08 : f32
            %gt3A_80 = arith.cmpf ogt, %while3A_78, %gt3A_79 : f32
            %while3A_81 = arith.constant 0 : i32
            %while3A_82 = arith.constant 1048576 : i32
            %while3A_83 = arith.subi %select_n3A, %while3A_81 : i32
            %while3A_84 = arith.addi %while3A_81, %while3A_83 : i32
            %while3A_85 = arith.constant 1 : i32
            %while3A_86 = arith.divsi %while3A_83, %while3A_85 : i32
            %while3A_87 = arith.muli %while3A_86, %while3A_85 : i32
            %while3A_88 = arith.addi %while3A_81, %while3A_87 : i32
            %while3A_89 = arith.constant 1 : i32
            %while3A_90 = scf.for %while3A_185 = %while3A_81 to %while3A_88 step %while3A_89 iter_args(%while3A_186 = %while3A_82) -> (i32)  : i32 {
              %mul3A_187 = arith.constant 16 : i32
              %mul3A_188 = arith.muli %while3A_185, %mul3A_187 : i32
              %get3A_189 = arith.index_cast %mul3A_188 : i32 to index
              %get3A_190 = tpu.vector_load %arg19[%get3A_189] {strides = array<i32>} : memref<352xf32, #tpu.memory_space<vmem>>, vector<16xf32>,
              %reduce_max3A_191 = arith.constant true
              %reduce_max3A_192 = vector.broadcast %reduce_max3A_191 : i1 to vector<16xi1>
              %reduce_max3A_193 = tpu.scan <max>, %get3A_190 masked %reduce_max3A_192 : vector<16xf32>, vector<16xi1> -> vector<16xf32>
              %reduce_max3A_194 = vector.extract %reduce_max3A_193[15] : f32 from vector<16xf32>
              %eq3A_195 = arith.cmpf oeq, %reduce_max3A_194, %while3A_78 : f32
              %jit3A_196 = arith.constant 1048576 : i32
              %select_n3A_197 = arith.select %eq3A_195, %while3A_185, %jit3A_196 : i32
              %min3A_198 = arith.minsi %while3A_186, %select_n3A_197 : i32
              scf.yield %min3A_198 : i32
            }
            %while3A_91 = arith.constant 1 : i32
            %while3A_92 = scf.for %while3A_185 = %while3A_88 to %while3A_84 step %while3A_91 iter_args(%while3A_186 = %while3A_90) -> (i32)  : i32 {
              %mul3A_187 = arith.constant 16 : i32
              %mul3A_188 = arith.muli %while3A_185, %mul3A_187 : i32
              %get3A_189 = arith.index_cast %mul3A_188 : i32 to index
              %get3A_190 = tpu.vector_load %arg19[%get3A_189] {strides = array<i32>} : memref<352xf32, #tpu.memory_space<vmem>>, vector<16xf32>,
              %reduce_max3A_191 = arith.constant true
              %reduce_max3A_192 = vector.broadcast %reduce_max3A_191 : i1 to vector<16xi1>
              %reduce_max3A_193 = tpu.scan <max>, %get3A_190 masked %reduce_max3A_192 : vector<16xf32>, vector<16xi1> -> vector<16xf32>
              %reduce_max3A_194 = vector.extract %reduce_max3A_193[15] : f32 from vector<16xf32>
              %eq3A_195 = arith.cmpf oeq, %reduce_max3A_194, %while3A_78 : f32
              %jit3A_196 = arith.constant 1048576 : i32
              %select_n3A_197 = arith.select %eq3A_195, %while3A_185, %jit3A_196 : i32
              %min3A_198 = arith.minsi %while3A_186, %select_n3A_197 : i32
              scf.yield %min3A_198 : i32
            }
            %sub3A_93 = arith.constant 1 : i32
            %sub3A_94 = arith.subi %select_n3A, %sub3A_93 : i32
            %min3A_95 = arith.minsi %while3A_92, %sub3A_94 : i32
            %mul3A = arith.constant 16 : i32
            %mul3A_96 = arith.muli %min3A_95, %mul3A : i32
            %get3A = arith.index_cast %mul3A_96 : i32 to index
            %get3A_97 = tpu.vector_load %arg19[%get3A] {strides = array<i32>} : memref<352xf32, #tpu.memory_space<vmem>>, vector<16xf32>,
            %eq3A_98 = vector.broadcast %while3A_78 : f32 to vector<16xf32>
            %eq3A_99 = arith.cmpf oeq, %get3A_97, %eq3A_98 : vector<16xf32>
            %jit3A_100 = arith.constant 1048576 : i32
            %broadcast_in_dim3A_101 = vector.broadcast %jit3A_100 : i32 to vector<16xi32>
            %select_n3A_102 = arith.select %eq3A_99, %iota3A, %broadcast_in_dim3A_101 : vector<16xi1>, vector<16xi32>
            %reduce_min3A = arith.constant true
            %reduce_min3A_103 = vector.broadcast %reduce_min3A : i1 to vector<16xi1>
            %reduce_min3A_104 = arith.constant -2147483648 : i32
            %reduce_min3A_105 = vector.broadcast %reduce_min3A_104 : i32 to vector<16xi32>
            %reduce_min3A_106 = arith.xori %select_n3A_102, %reduce_min3A_105 : vector<16xi32>
            %reduce_min3A_107 = tpu.scan <min>, %reduce_min3A_106 masked %reduce_min3A_103 : vector<16xi32>, vector<16xi1> -> vector<16xi32>
            %reduce_min3A_108 = arith.xori %reduce_min3A_107, %reduce_min3A_105 : vector<16xi32>
            %reduce_min3A_109 = vector.extract %reduce_min3A_108[15] : i32 from vector<16xi32>
            %mul3A_110 = arith.constant 16 : i32
            %mul3A_111 = arith.muli %min3A_95, %mul3A_110 : i32
            %add3A_112 = arith.addi %mul3A_111, %reduce_min3A_109 : i32
            %min3A_113 = arith.constant 313 : i32
            %min3A_114 = arith.minsi %add3A_112, %min3A_113 : i32
            %mul3A_115 = arith.constant 16 : i32
            %mul3A_116 = arith.muli %min3A_114, %mul3A_115 : i32
            %get3A_117 = arith.index_cast %mul3A_116 : i32 to index
            %get3A_118 = tpu.vector_load %arg14[%get3A_117] {strides = array<i32>} : memref<5024xf32, #tpu.memory_space<vmem>>, vector<16xf32>,
            %get3A_119 = arith.index_cast %mul3A_116 : i32 to index
            %get3A_120 = tpu.vector_load %arg7[%get3A_119] {strides = array<i32>} : memref<5024xi32, #tpu.memory_space<vmem>>, vector<16xi32>,
            %eq3A_121 = vector.broadcast %while3A_78 : f32 to vector<16xf32>
            %eq3A_122 = arith.cmpf oeq, %get3A_118, %eq3A_121 : vector<16xf32>
            %jit3A_123 = arith.constant 1073741824 : i32
            %broadcast_in_dim3A_124 = vector.broadcast %jit3A_123 : i32 to vector<16xi32>
            %select_n3A_125 = arith.select %eq3A_122, %get3A_120, %broadcast_in_dim3A_124 : vector<16xi1>, vector<16xi32>
            %reduce_min3A_126 = arith.constant true
            %reduce_min3A_127 = vector.broadcast %reduce_min3A_126 : i1 to vector<16xi1>
            %reduce_min3A_128 = arith.constant -2147483648 : i32
            %reduce_min3A_129 = vector.broadcast %reduce_min3A_128 : i32 to vector<16xi32>
            %reduce_min3A_130 = arith.xori %select_n3A_125, %reduce_min3A_129 : vector<16xi32>
            %reduce_min3A_131 = tpu.scan <min>, %reduce_min3A_130 masked %reduce_min3A_127 : vector<16xi32>, vector<16xi1> -> vector<16xi32>
            %reduce_min3A_132 = arith.xori %reduce_min3A_131, %reduce_min3A_129 : vector<16xi32>
            %reduce_min3A_133 = vector.extract %reduce_min3A_132[15] : i32 from vector<16xi32>
            %eq3A_134 = vector.broadcast %while3A_78 : f32 to vector<16xf32>
            %eq3A_135 = arith.cmpf oeq, %get3A_118, %eq3A_134 : vector<16xf32>
            %eq3A_136 = vector.broadcast %reduce_min3A_133 : i32 to vector<16xi32>
            %eq3A_137 = arith.cmpi eq, %get3A_120, %eq3A_136 : vector<16xi32>
            %and3A_138 = arith.andi %eq3A_135, %eq3A_137 : vector<16xi1>
            %jit3A_139 = arith.constant -1.000000e+09 : f32
            %broadcast_in_dim3A_140 = vector.broadcast %jit3A_139 : f32 to vector<16xf32>
            %select_n3A_141 = arith.select %and3A_138, %broadcast_in_dim3A_140, %get3A_118 : vector<16xi1>, vector<16xf32>
            %swap3A_142 = arith.index_cast %mul3A_116 : i32 to index
            %swap3A_143 = tpu.vector_load %arg14[%swap3A_142] {strides = array<i32>} : memref<5024xf32, #tpu.memory_space<vmem>>, vector<16xf32>,
            tpu.vector_store %arg14[%swap3A_142], %select_n3A_141 {strides = array<i32>} : memref<5024xf32, #tpu.memory_space<vmem>>, vector<16xf32>,
            %reduce_max3A = arith.constant true
            %reduce_max3A_144 = vector.broadcast %reduce_max3A : i1 to vector<16xi1>
            %reduce_max3A_145 = tpu.scan <max>, %select_n3A_141 masked %reduce_max3A_144 : vector<16xf32>, vector<16xi1> -> vector<16xf32>
            %reduce_max3A_146 = vector.extract %reduce_max3A_145[15] : f32 from vector<16xf32>
            %eq3A_147 = vector.broadcast %reduce_min3A_109 : i32 to vector<16xi32>
            %eq3A_148 = arith.cmpi eq, %iota3A, %eq3A_147 : vector<16xi32>
            %mul3A_149 = arith.constant 16 : i32
            %mul3A_150 = arith.muli %min3A_95, %mul3A_149 : i32
            %get3A_151 = arith.index_cast %mul3A_150 : i32 to index
            %get3A_152 = tpu.vector_load %arg19[%get3A_151] {strides = array<i32>} : memref<352xf32, #tpu.memory_space<vmem>>, vector<16xf32>,
            %broadcast_in_dim3A_153 = vector.broadcast %reduce_max3A_146 : f32 to vector<16xf32>
            %select_n3A_154 = arith.select %eq3A_148, %broadcast_in_dim3A_153, %get3A_152 : vector<16xi1>, vector<16xf32>
            %mul3A_155 = arith.constant 16 : i32
            %mul3A_156 = arith.muli %min3A_95, %mul3A_155 : i32
            %swap3A_157 = arith.index_cast %mul3A_156 : i32 to index
            %swap3A_158 = tpu.vector_load %arg19[%swap3A_157] {strides = array<i32>} : memref<352xf32, #tpu.memory_space<vmem>>, vector<16xf32>,
            tpu.vector_store %arg19[%swap3A_157], %select_n3A_154 {strides = array<i32>} : memref<352xf32, #tpu.memory_space<vmem>>, vector<16xf32>,
            %jit3A_159 = arith.constant 5000 : i32
            %select_n3A_160 = arith.select %gt3A_80, %reduce_min3A_133, %jit3A_159 : i32
            %mul3A_161 = arith.constant 4 : i32
            %mul3A_162 = arith.muli %select_n3A_160, %mul3A_161 : i32
            %add3A_163 = vector.broadcast %mul3A_162 : i32 to vector<16xi32>
            %add3A_164 = arith.addi %add3A_163, %min3A_20 : vector<16xi32>
            %gather3A = tpu.vector_load_idx %arg6[%add3A_164] : memref<20064xf32, #tpu.memory_space<vmem>>[vector<16xi32>], vector<16xf32>,
            %jit3A_165 = arith.constant 0.000000e+00 : f32
            %select_n3A_166 = arith.select %gt3A_80, %while3A_78, %jit3A_165 : f32
            %lt3A = arith.constant 4 : i32
            %lt3A_167 = vector.broadcast %lt3A : i32 to vector<16xi32>
            %lt3A_168 = arith.cmpi slt, %iota3A, %lt3A_167 : vector<16xi32>
            %eq3A_169 = arith.constant 4 : i32
            %eq3A_170 = vector.broadcast %eq3A_169 : i32 to vector<16xi32>
            %eq3A_171 = arith.cmpi eq, %iota3A, %eq3A_170 : vector<16xi32>
            %jit3A_172 = arith.constant 0.000000e+00 : f32
            %broadcast_in_dim3A_173 = vector.broadcast %select_n3A_166 : f32 to vector<16xf32>
            %broadcast_in_dim3A_174 = vector.broadcast %jit3A_172 : f32 to vector<16xf32>
            %select_n3A_175 = arith.select %eq3A_171, %broadcast_in_dim3A_173, %broadcast_in_dim3A_174 : vector<16xi1>, vector<16xf32>
            %select_n3A_176 = arith.select %lt3A_168, %gather3A, %select_n3A_175 : vector<16xi1>, vector<16xf32>
            %mul3A_177 = arith.constant 5 : i32
            %mul3A_178 = arith.muli %scan3A_65, %mul3A_177 : i32
            %add3A_179 = vector.broadcast %mul3A_178 : i32 to vector<16xi32>
            %add3A_180 = arith.addi %add3A_179, %iota3A : vector<16xi32>
            %lt3A_181 = arith.constant 5 : i32
            %lt3A_182 = vector.broadcast %lt3A_181 : i32 to vector<16xi32>
            %lt3A_183 = arith.cmpi slt, %iota3A, %lt3A_182 : vector<16xi32>
            tpu.vector_store_idx %arg20[%add3A_180], %select_n3A_176 masked %lt3A_183 : memref<512xf32, #tpu.memory_space<vmem>>[vector<16xi32>], vector<16xf32>, vector<16xi1>
            %scan3A_184 = arith.constant 0 : i32
            scf.yield %scan3A_184 : i32
          }
          %scan3A_64 = arith.constant 100 : i32
        } else {
        }
        "tpu.region"() ({
          %run_scoped3A = tpu.sem_alloc : memref<!tpu.dma_semaphore, #tpu.memory_space<semaphore_mem>>
          tpu.enqueue_dma source(%arg20 : memref<512xf32, #tpu.memory_space<vmem>>) target(%arg4 : memref<512xf32, #tpu.memory_space<hbm>>) target_semaphore(%run_scoped3A : memref<!tpu.dma_semaphore, #tpu.memory_space<semaphore_mem>>)
          tpu.wait_dma2 semaphore(%run_scoped3A : memref<!tpu.dma_semaphore, #tpu.memory_space<semaphore_mem>>) src(%arg20 : memref<512xf32, #tpu.memory_space<vmem>>) dst(%arg4 : memref<512xf32, #tpu.memory_space<hbm>>)
          tpu.yield
        }) : () -> ()
      } else {
      }
    } else {
    }
    return
  }
}

</mosaic_0001>

<sc_bundles>
// kernel: _nms.3.cloned.1.call-start
scs
__scs_entry_jumppad:
0x0: {  	(pc) =	sbr.rel $0x88, $3  }
0x1: {  	(tag) =	ssettag $0x0;
	lr =	simm.s32 $0x1  }
0x2: {  	[smem:$0x3F9F] =	sst lr;
	_ =	strace $0xD0000000  }
0x3: {  	_ = 	snop  }
0x4: {  	_ = 	snop  }
0x5: {  	_ = 	snop  }
0x6: {  	_ = 	snop  }
0x7: {  	_ = 	snop  }
__scs_overlays_trampoline_lowered:
0x8: {  	[smem:$0x3FAE] =	sst s0  }
0x9: {  	[smem:$0x3FAF] =	sst s1  }
0xa: {  	[smem:$0x3FB0] =	sst s2  }
0xb: {  	[smem:$0x3FB1] =	sst s3  }
0xc: {  	[smem:$0x3FB2] =	sst s4  }
0xd: {  	[smem:$0x3FB3] =	sst s5  }
0xe: {  	[smem:$0x3FB4] =	sst s6  }
0xf: {  	[smem:$0x3FB5] =	sst s7  }
0x10: {  	[smem:$0x3FB6] =	sst s8  }
0x11: {  	[smem:$0x3FB7] =	sst s9;
	s0 =	simm.s32 @!p0 $0x0  }
0x12: {  	s1 =	sld [smem:$0x3F9D];
	s0 =	simm.s32 @p0 $0x1  }
0x13: {  	[smem:$0x3FB8] =	sst s0;
	s0 =	simm.s32 @!p1 $0x0  }
0x14: {  	s2 =	sld [smem:$0x3F9C];
	s0 =	simm.s32 @p1 $0x1  }
0x15: {  	[smem:$0x3FB9] =	sst s0;
	s0 =	simm.s32 @!p2 $0x0  }
0x16: {  	s3 =	sld [smem:$0x3FDB];
	s0 =	simm.s32 @p2 $0x1  }
0x17: {  	s4 =	simm.s32 $0x1BF5;
	[smem:$0x3FBB] =	sst s0  }
0x18: {  	s0 =	sld [smem:$0x3F9E];
	_ =	swait.ge [sflag:s4], $0x0  }
0x19: {  	s7 =	sld [smem:$0x3F9F]  }
0x1a: {  	s8 =	sadd.s32 $0xFFFFE003, lr  }
0x1b: {  	s9 =	sadd.s32 $0xFFFFFEF7, lr;
	s5 =	simm.s32 $0xFFFFFFFF;
	p2 =	slt.u32 s8, $0xFFFFF086  }
0x1c: {  	p1 =	slt.u32 s9, $0xF7A;
	s5 =	simm.s32 @!p2 $0x0  }
0x1d: {  	s5 =	simm.s32 @p1 $0x1;
	p0 =	seq.s32 s7, s2  }
0x1e: {  	s7 =	smul.u32 @!p0 $0xF7A, s2;
	p2 =	seq.s32 @!p0 s5, $0x0  }
0x1f: {  	s9 =	smul.u32 $0xF7A, s1;
	s8 =	simm.s32 @!p0 $0x1BF5;
	p2 =	por !p2, p0  }
0x20: {  	[sflag:s8] =	ssyncset.s32 @!p0 $0xFFFFF086;
	s6 =	sadd.s32 @!p0 s3, s7;
	s7 =	simm.s32 @!p0 $0x108  }
0x21: {  	s3 =	sadd.s32 s3, s9;
	s6 =	sadd.s32 @!p0 $0x88, s6;
	s7 =	simm.s32 @p2 $0x1082  }
0x22: {  	[simem:s7], [sflag:s8] =	dma.local @!p0 [hbm:s6], $0xF7A  }
0x23: {  	s9 =	sor.u32 $0xD0000000, s2;
	s6 =	simm.s32 $0x108;
	_ =	swait.ge @!p0 [sflag:s8], $0x0  }
0x24: {  	s3 =	sadd.s32 $0x88, s3;
	s6 =	simm.s32 @!p1 $0x1082;
	[sflag:s4] =	ssyncset.s32 $0xFFFFF086  }
0x25: {  	[simem:s6], [sflag:s4] =	dma.local [hbm:s3], $0xF7A  }
0x26: {  	[smem:$0x3F9F] =	sst s1;
	(tag) =	ssettag s2;
	_ =	strace s9  }
0x27: {  	s1 =	sld [smem:$0x3FAF]  }
0x28: {  	s2 =	sld [smem:$0x3FB0]  }
0x29: {  	s4 =	sld [smem:$0x3FB2]  }
0x2a: {  	p0 =	seq.s32 s5, $0x0;
	s5 =	sld [smem:$0x3FB3]  }
0x2b: {  	s6 =	sld [smem:$0x3FB4]  }
0x2c: {  	s7 =	sld [smem:$0x3FB5]  }
0x2d: {  	s3 =	simm.s32 $0x108;
	s8 =	sld [smem:$0x3FB6]  }
0x2e: {  	s3 =	simm.s32 @!p0 $0x1082;
	s9 =	sld [smem:$0x3FB7]  }
0x2f: {  	lr =	sadd.s32 s0, s3;
	s0 =	sld [smem:$0x3FAE]  }
0x30: {  	s3 =	sld [smem:$0x3FB1]  }
0x31: {  	[smem:$0x3FBA] =	sst s10  }
0x32: {  	s10 =	sld [smem:$0x3FB8];
	_ =	sdelay $0x3  }
0x33: {  	p0 =	seq.s32 s10, $0x1;
	s10 =	sld [smem:$0x3FBA];
	_ =	sdelay $0x3  }
0x34: {  	[smem:$0x3FBA] =	sst s10  }
0x35: {  	s10 =	sld [smem:$0x3FB9];
	_ =	sdelay $0x3  }
0x36: {  	p1 =	seq.s32 s10, $0x1;
	s10 =	sld [smem:$0x3FBA];
	_ =	sdelay $0x3  }
0x37: {  	[smem:$0x3FBA] =	sst s10  }
0x38: {  	s10 =	sld [smem:$0x3FBB]  }
0x39: {  	_ = 	snop;
	(pc) =	sbr.ind lr, $3  }
0x3a: {  	_ = 	snop  }
0x3b: {  	_ = 	snop  }
0x3c: {  	p2 =	seq.s32 s10, $0x1;
	s10 =	sld [smem:$0x3FBA]  }
0x3d: {  	_ =	shalt  }
0x3e: {  	_ =	shalt  }
0x3f: {  	_ =	shalt  }
0x40: {  	_ =	shalt  }
0x41: {  	_ =	shalt  }
0x42: {  	_ =	shalt  }
0x43: {  	_ =	shalt  }
0x44: {  	_ =	shalt  }
0x45: {  	_ =	shalt  }
0x46: {  	_ =	shalt  }
0x47: {  	_ =	shalt  }
0x48: {  	_ =	shalt  }
0x49: {  	_ =	shalt  }
0x4a: {  	_ =	shalt  }
0x4b: {  	_ =	shalt  }
0x4c: {  	_ =	shalt  }
0x4d: {  	_ =	shalt  }
0x4e: {  	_ =	shalt  }
0x4f: {  	_ =	shalt  }
0x50: {  	_ =	shalt  }
0x51: {  	_ =	shalt  }
0x52: {  	_ =	shalt  }
0x53: {  	_ =	shalt  }
0x54: {  	_ =	shalt  }
0x55: {  	_ =	shalt  }
0x56: {  	_ =	shalt  }
0x57: {  	_ =	shalt  }
0x58: {  	_ =	shalt  }
0x59: {  	_ =	shalt  }
0x5a: {  	_ =	shalt  }
0x5b: {  	_ =	shalt  }
0x5c: {  	_ =	shalt  }
0x5d: {  	_ =	shalt  }
0x5e: {  	_ =	shalt  }
0x5f: {  	_ =	shalt  }
0x60: {  	_ =	shalt  }
0x61: {  	_ =	shalt  }
0x62: {  	_ =	shalt  }
0x63: {  	_ =	shalt  }
0x64: {  	_ =	shalt  }
0x65: {  	_ =	shalt  }
0x66: {  	_ =	shalt  }
0x67: {  	_ =	shalt  }
0x68: {  	_ =	shalt  }
0x69: {  	_ =	shalt  }
0x6a: {  	_ =	shalt  }
0x6b: {  	_ =	shalt  }
0x6c: {  	_ =	shalt  }
0x6d: {  	_ =	shalt  }
0x6e: {  	_ =	shalt  }
0x6f: {  	_ =	shalt  }
0x70: {  	_ =	shalt  }
0x71: {  	_ =	shalt  }
0x72: {  	_ =	shalt  }
0x73: {  	_ =	shalt  }
0x74: {  	_ =	shalt  }
0x75: {  	_ =	shalt  }
0x76: {  	_ =	shalt  }
0x77: {  	_ =	shalt  }
0x78: {  	_ =	shalt  }
0x79: {  	_ =	shalt  }
0x7a: {  	_ =	shalt  }
0x7b: {  	_ =	shalt  }
0x7c: {  	_ =	shalt  }
0x7d: {  	_ =	shalt  }
0x7e: {  	_ =	shalt  }
0x7f: {  	_ =	shalt  }
0x80: {  	_ =	shalt  }
0x81: {  	_ =	shalt  }
0x82: {  	_ =	shalt  }
0x83: {  	_ =	shalt  }
0x84: {  	_ =	shalt  }
0x85: {  	_ =	shalt  }
0x86: {  	_ =	shalt  }
0x87: {  	_ =	shalt  }
.Lfunc_end0:
.L_simem_size_0:
called_computation_lowered:
.L_overlay_start_0:
0x88: {  	s0 =	sld [smem:$0x3FD9]  }
0x89: {  	s1 =	sld [smem:$0x3FFE];
	_ =	sdelay $0x3  }
0x8a: {  	s0 =	sadd.s32 s1, s0  }
0x8b: {  	[smem:$0x3FC6] =	sst s0  }
0x8c: {  	_ = 	snop  }
0x8d: {  	s0 =	sld [smem:$0x3FC9]  }
0x8e: {  	s17 =	sld [smem:$0x3FC8]  }
0x8f: {  	s2 =	sld [smem:$0x3FD0];
	(tm) =	ssettm $0x1  }
0x90: {  	s3 =	sld [smem:$0x3FFB];
	_ =	sdelay $0x3  }
0x91: {  	_ =	strace s3  }
0x92: {  	s3 =	sld [smem:$0x3FFC];
	_ =	sdelay $0x3  }
0x93: {  	_ =	strace s3  }
0x94: {  	s3 =	sld [smem:$0x3FFD];
	_ =	sdelay $0x3  }
0x95: {  	_ =	strace s3  }
0x96: {  	_ =	strace $0x8FFFFFFF  }
0x97: {  	s18 =	sld [smem:$0x3FDB];
	_ =	sdelay $0x1  }
0x98: {  	s4 =	simm.s32 $_scs_section_size  }
0x99: {  	s5 =	simm.s32 $_size__tile_overlayer_lowered;
	s6 =	simm.s32 $_tile_overlayer_lowered  }
0x9a: {  	s21 =	simm.s32 $0x1BFF;
	s20 =	sshll.u32 s6, $0x1;
	s3 =	sadd.s32 s4, s18  }
0x9b: {  	s7 =	simm.s32 $0x0;
	s19 =	sshll.u32 s5, $0x1;
	s5 =	sadd.s32 s20, s3  }
0x9c: {  	[timem:s7], [sflag:s21] =	dma.local [hbm:s5], s19  }
0x9d: {  	_ =	swait.ge [sflag:s21], s19  }
0x9e: {  	s4 =	ssub.s32 $0x0, s19;
	[sflag:s21] =	ssyncset.done $0x0  }
0x9f: {  	[sflag:s21] =	ssyncadd.s32 s4;
	_ =	sdelay $0x1  }
0xa0: {  	s22 =	simm.s32 $0x1B8B  }
0xa1: {  	_ =	swait.ge [sflag:s22], $0x1  }
0xa2: {  	[sflag:s22] =	ssyncset.done $0x0  }
0xa3: {  	s23 =	simm.s32 $0x1B8E;
	[sflag:s22] =	ssyncadd.s32 $0xFFFFFFFF  }
0xa4: {  	s24 =	simm.s32 $execute0_lowered;
	[smem:$0x3FD2] =	sst s23  }
0xa5: {  	s4 =	sshll.u32 s24, $0x1;
	_ =	strace $0x80000046;
	[dreg:$0x1] =	wrdreg $0xFFFFFFFF  }
0xa6: {  	s25 =	simm.s32 $_size_execute0_lowered;
	s3 =	sadd.s32 s3, s4;
	[dreg:$0x0] =	wrdreg $0x0  }
0xa7: {  	s4 =	sshll.u32 s25, $0x1;
	[dreg:$0x2] =	wrdreg s3  }
0xa8: {  	[dreg:$0x3] =	wrdreg s4  }
0xa9: {  	[dreg:$0x4] =	wrdreg $0xC0  }
0xaa: {  	_ =	task [dreg:s7], $0x5FFFF  }
0xab: {  	[dreg:$0x1] =	wrdreg $0xFFFFFFFF  }
0xac: {  	[dreg:$0x0] =	wrdreg $0x60  }
0xad: {  	[dreg:$0x2] =	wrdreg s0  }
0xae: {  	[dreg:$0x3] =	wrdreg s17  }
0xaf: {  	[dreg:$0x4] =	wrdreg s2  }
0xb0: {  	[dreg:$0x5] =	wrdreg $0x11FE00  }
0xb1: {  	[dreg:$0x6] =	wrdreg $0x11FC00  }
0xb2: {  	[dreg:$0x7] =	wrdreg $0x11E800  }
0xb3: {  	[dreg:$0x8] =	wrdreg $0x9  }
0xb4: {  	_ =	task.clear_ibuf [dreg:s7], $0x9FFFF;
	_ =	strace $0x90000046  }
0xb5: {  	s26 =	simm.s32 $0x9;
	_ =	strace $0x80000048  }
0xb6: {  	_ =	swait.ge [sflag:s26], $0x1  }
0xb7: {  	[sflag:s26] =	ssyncadd.s32 $0xFFFFFFFF  }
0xb8: {  	_ =	strace $0x90000048  }
0xb9: {  	_ =	sfence  }
0xba: {  	s28 =	sld [smem:$0x0];
	_ =	sdelay $0x1  }
0xbb: {  	s29 =	srdreg.scid  }
0xbc: {  	s30 =	sshll.u32 s29, $0xD;
	s31 =	sshrl.u32 s29, $0x2  }
0xbd: {  	s1 =	sand.u32 $0x1, s29;
	s2 =	sand.u32 $0x4000, s30;
	s0 =	sadd.s32 s31, s28  }
0xbe: {  	s1 =	sor.u32 s2, s1;
	s0 =	sshll.u32 s0, $0x11  }
0xbf: {  	s0 =	sor.u32 s0, s1  }
0xc0: {  	s0 =	sadd.s32 $0x8F2B, s0  }
0xc1: {  	[sflag:s0] =	ssyncadd.remote.s32 $0x1  }
0xc2: {  	_ =	sfence.sel $0xFFFF  }
0xc3: {  	[dreg:$0x0] =	wrdreg $0xFFFFFFFF;
	(pc) =	sbr.abs _section_cstart, $3  }
0xc4: {  	[dreg:$0x1] =	wrdreg $0xFFFFFFFF  }
0xc5: {  	_ =	task.clear_ibuf [dreg:s7], $0x2FFFF;
	_ =	strace $0x9FFFFFFF  }
0xc6: {  	(tm) =	ssettm $0x7FFFFFFF  }
0xc7: {  	_ =	shalt  }
tec
execute0_lowered:
.L_overlay_start_1:
0x0: {  	(tag) =	ssettag $0x1  }
0x1: {  	s0 =	rddreg [dreg:$0x0]  }
0x2: {  	s1 =	rddreg [dreg:$0x1]  }
0x3: {  	s5 =	rddreg [dreg:$0x3]  }
0x4: {  	s8 =	rddreg [dreg:$0x4]  }
0x5: {  	s2 =	rddreg [dreg:$0x5];
	s12 =	stileid.u32;
	_ =	strace $0x80000047  }
0x6: {  	s6 =	simm.s32 $0x0;
	s7 =	simm.s32 $0x1;
	s10 =	simm.s32 $0x1400  }
0x7: {  	s21 =	simm.f32 $9.700000280e-01;
	s17 =	simm.s32 $0x10400;
	s20 =	simm.s32 $0x11A80  }
0x8: {  	s22 =	simm.s32 $0x6280;
	s23 =	simm.s32 $0x7680;
	s3 =	smul.u32 $0x14, s12  }
0x9: {  	v0 =	vimm.f32 $-1.000000000e+09;
	s24 =	simm.s32 $0x8A80;
	s28 =	simm.s32 $0xC680;
	s4 =	smul.u32 $0x540, s12  }
0xa: {  	s29 =	simm.s32 $0xDA80;
	[tilespmem:$0x1380] =	vst v0;
	s9 =	sshll.u32 s12, $0x4;
	s26 =	smul.u32 $0x500, s12  }
0xb: {  	[tilespmem:s6], [sflag:$0x1] =	stream.linear.gather [hbm4b:s1+s6], $0x1388, $0x38;
	[tilespmem:$0x12130] =	vst v63  }
0xc: {  	s31 =	sadd.s32 $0x100, s8;
	s16 =	smul.u32 $0x140, s12;
	_ =	swait.ge [sflag:s7], $0x1388  }
0xd: {  	s12 =	simm.s32 $0x10280;
	s4 =	sshrl.u32 s4, $0x2;
	[sflag:s7] =	ssyncset.done $0x0  }
0xe: {  	s11 =	sadd.s32 s9, s8;
	s4 =	sadd.s32 s4, s5;
	[sflag:s7] =	ssyncadd.s32 $0xFFFFEC78  }
0xf: {  	[tilespmem:s10], [sflag:$0x1] =	stream.linear.gather [hbm4b:s0+s6], $0x4E20, $0x38;
	[tilespmem:$0x12130] =	vst v63  }
.Ltmp0:
0x10: {  	s25 =	smin.u32 s3, $0x125;
	[dreg:$0x7] =	wrdreg s4;
	(pc) =	sbr.rel .LBB2_1-.Ltmp0, $4  }
0x11: {  	s30 =	sadd.s32 $0x100, s11;
	s15 =	sshrl.u32 s26, $0x2;
	_ =	swait.ge [sflag:s7], $0x4E20  }
0x12: {  	s26 =	simm.s32 $0xB280;
	s1 =	sadd.s32 $0x14, s25;
	[sflag:s7] =	ssyncset.done $0x0  }
0x13: {  	v2 =	vimm.f32 $0.0e+00;
	v1 =	vlaneseq.u32;
	vm0 =	vmmov $0xffff;
	s25 =	simm.s32 $0x9E80;
	[dreg:$0x8] =	wrdreg s30;
	[sflag:s7] =	ssyncadd.s32 $0xFFFFB1E0  }
0x14: {  	vm1 =	vmxor vm1, vm1;
	v0 =	vimm.s32 $0x0;
	s14 =	ssub.s32 s1, s3;
	p0 =	sge.u32 s3, s1;
	[dreg:$0x9] =	wrdreg s31;
	[tilespmem:$0x6220] =	vst v2;
	v2 =	vimm.s32 $0x1388  }
.LBB2_22:
0x15: {  	s3 =	simm.s32 $0x0  }
.LBB2_37:
0x16: {  	v3 =	vmov s3  }
0x17: {  	s0 =	rddreg [dreg:$0x8];
	[tilespmem:$0x10280] =	vst v3  }
0x18: {  	[spmem:s0] =	stream.linear.scatter [tilespmem:s12], [sflag:$0x1], $0x10, $0x38;
	[tilespmem:$0x12130] =	vst v63  }
0x19: {  	_ =	swait.ge [sflag:s7], $0x10  }
0x1a: {  	[sflag:s7] =	ssyncset.done $0x0  }
0x1b: {  	[sflag:s7] =	ssyncadd.s32 $0xFFFFFFF0  }
0x1c: {  	[bflag:$0x0] =	sbarrier.arrive $0xFFFF  }
0x1d: {  	s1 =	simm.s32 $0x10290;
	s19 =	rddreg [dreg:$0x9]  }
0x1e: {  	[tilespmem:s1], [sflag:$0x1] =	stream.linear.gather [spmem:s19], $0x100, $0x38;
	[tilespmem:$0x12130] =	vst v63  }
0x1f: {  	_ =	swait.ge [sflag:s7], $0x100  }
0x20: {  	[sflag:s7] =	ssyncset.done $0x0  }
0x21: {  	[sflag:s7] =	ssyncadd.s32 $0xFFFFFF00  }
0x22: {  	v3 =	vld [tilespmem:$0x10290]  }
0x23: {  	v4 =	vld [tilespmem:$0x102A0]  }
0x24: {  	v5 =	vld [tilespmem:$0x102B0]  }
0x25: {  	v6 =	vld [tilespmem:$0x102C0]  }
0x26: {  	v7 =	vld [tilespmem:$0x102D0]  }
0x27: {  	v8 =	vld [tilespmem:$0x102E0]  }
0x28: {  	v54 =	vld [tilespmem:$0x102F0];
	v3 =	vadd.s32 v3, v4  }
0x29: {  	v55 =	vld [tilespmem:$0x10300];
	v3 =	vadd.s32 v3, v5  }
0x2a: {  	v56 =	vld [tilespmem:$0x10310];
	v3 =	vadd.s32 v3, v6  }
0x2b: {  	v57 =	vld [tilespmem:$0x10320];
	v3 =	vadd.s32 v3, v7  }
0x2c: {  	v58 =	vld [tilespmem:$0x10330];
	v3 =	vadd.s32 v3, v8  }
0x2d: {  	v59 =	vld [tilespmem:$0x10340];
	v3 =	vadd.s32 v3, v54  }
0x2e: {  	v60 =	vld [tilespmem:$0x10350];
	v3 =	vadd.s32 v3, v55  }
0x2f: {  	v61 =	vld [tilespmem:$0x10360];
	v3 =	vadd.s32 v3, v56  }
0x30: {  	v62 =	vld [tilespmem:$0x10370];
	v3 =	vadd.s32 v3, v57  }
0x31: {  	v63 =	vld [tilespmem:$0x10380];
	v3 =	vadd.s32 v3, v58  }
0x32: {  	v3 =	vadd.s32 v3, v59  }
0x33: {  	v3 =	vadd.s32 v3, v60  }
0x34: {  	v3 =	vadd.s32 v3, v61  }
0x35: {  	v3 =	vadd.s32 v3, v62  }
0x36: {  	v3 =	vadd.s32 v3, v63  }
0x37: {  	v3 =	vxor.u32 $0x80000000, v3  }
0x38: {  	(xrf0) =	vmax.scan.msk.u32 $0xffff, v3;
	_ =	sdelay $0x5  }
0x39: {  	v3, _, _ =	vpop (xrf0)  }
0x3a: {  	(v2sf) =	vpush v3, $0xF;
	_ =	sdelay $0xd  }
0x3b: {  	p2 =	sgt.f32 s21, $5.000000070e-02  }
0x3c: {  	s0 =	spop (v2sf)  }
0x3d: {  	p3 =	slt.u32 @p2 s0, $0x80000064  }
0x3e: {  	p2 =	por !p2, !p3  }
.Ltmp1:
0x3f: {  	_ = 	snop;
	(pc) =	sbr.rel @p2 .LBB2_38-.Ltmp1, $4  }
0x40: {  	_ = 	snop  }
0x41: {  	s30 =	sadd.f32 $-5.000000070e-02, s21  }
0x42: {  	[bflag:$0x0] =	sbarrier.arrive $0xFFFF  }
0x43: {  	s21 =	smax.f32 s30, $5.000000070e-02  }
.LBB2_1:
.Ltmp2:
0x44: {  	(pc) =	sbr.rel @p0 .LBB2_9-.Ltmp2, $2  }
0x45: {  	_ =	sdelay $0x2  }
0x46: {  	v3 =	vimm.s32 $0x0  }
0x47: {  	p2 =	sne.s32 s14, $0x1  }
.Ltmp3:
0x48: {  	_ = 	snop;
	(pc) =	sbr.rel @!p2 .LBB2_3-.Ltmp3, $2  }
0x49: {  	_ =	sdelay $0x2  }
0x4a: {  	v3 =	vmov s21;
	v6 =	vimm.s32 $0x0;
	v7 =	vld [tilespmem:s15+$0x0];
	s0 =	sadd.s32 $0xFFFFFFFF, s14;
	p1 =	por $0x0, $0x0  }
0x4b: {  	_ =	sdelay $0x3  }
0x4c: {  	vm2 =	vgt.f32 v7, v3  }
0x4d: {  	v4 =	vsel vm2, $0x1, v0  }
0x4e: {  	(xrf0) =	vadd.scan.msk.s32 $0xffff, v4;
	_ =	sdelay $0x5  }
0x4f: {  	v4, _, _ =	vpop (xrf0)  }
0x50: {  	v4 =	vadd.s32 v4, v6  }
0x51: {  	v4 =	vadd.s32 $0xFFFFFFFF, v4  }
0x52: {  	vm3 =	vgt.s32 v4, $0x0  }
0x53: {  	v4 =	vnsel vm3, $0x0, v4  }
0x54: {  	p2 =	sne.s32 s0, $0x1  }
.Ltmp4:
0x55: {  	_ = 	snop;
	(pc) =	sbr.rel @!p2 .LBB2_5-.Ltmp4, $4  }
0x56: {  	v5 =	vmpcnt.ones.xlane vm2  }
0x57: {  	v7 =	vor.u32 s16, v1  }
0x58: {  	s1 =	sadd.s32 $0x10, s15;
	v5 =	vadd.s32 v6, v5;
	[tilespmem:v4+s17+$0x0] =	vst.idx.msk vm2, v7  }
0x59: {  	s3 =	sadd.s32 $0xFFFFFFFF, s0;
	p1 =	por $0x1, $0x1;
	s0 =	smov.u32 s16;
	v4 =	vmov v5;
	v7 =	vld [tilespmem:s1+$0x0]  }
.LBB2_6:
0x5a: {  	p2 =	sne.s32 s3, $0x1;
	_ =	sdelay $0x3  }
0x5b: {  	vm2 =	vgt.f32 v7, v3  }
0x5c: {  	v6 =	vsel vm2, $0x1, v0;
	v7 =	vmpcnt.ones.xlane vm2  }
0x5d: {  	(xrf0) =	vadd.scan.msk.s32 $0xffff, v6  }
0x5e: {  	v5 =	vadd.s32 v5, v7;
	_ =	sdelay $0x4  }
0x5f: {  	v6, _, _ =	vpop (xrf0)  }
0x60: {  	v6 =	vadd.s32 v6, v4;
	v4 =	vmov v5  }
0x61: {  	v6 =	vadd.s32 $0xFFFFFFFF, v6  }
0x62: {  	vm3 =	vgt.s32 v6, $0x0  }
0x63: {  	v6 =	vnsel vm3, $0x0, v6;
	_ =	sdelay $0x1  }
.Ltmp5:
0x64: {  	(pc) =	sbr.rel @p2 .LBB2_6-.Ltmp5, $4  }
0x65: {  	s0 =	sadd.s32 $0x10, s0  }
0x66: {  	v7 =	vor.u32 s0, v1  }
0x67: {  	s1 =	sadd.s32 $0x10, s1;
	[tilespmem:v6+s17+$0x0] =	vst.idx.msk vm2, v7  }
0x68: {  	s3 =	sadd.s32 $0xFFFFFFFF, s3;
	v7 =	vld [tilespmem:s1+$0x0]  }
0x69: {  	v6 =	vmov v5  }
.LBB2_8:
0x6a: {  	_ =	sdelay $0x2  }
0x6b: {  	vm2 =	vgt.f32 v7, v3  }
0x6c: {  	v3 =	vsel vm2, $0x1, v0  }
0x6d: {  	(xrf0) =	vadd.scan.msk.s32 $0xffff, v3;
	_ =	sdelay $0x5  }
0x6e: {  	v3, _, _ =	vpop (xrf0)  }
0x6f: {  	v3 =	vadd.s32 v3, v4  }
0x70: {  	v3 =	vadd.s32 $0xFFFFFFFF, v3  }
0x71: {  	vm3 =	vgt.s32 v3, $0x0  }
0x72: {  	v4 =	vnsel vm3, $0x0, v3;
	_ =	sdelay $0x1  }
0x73: {  	s0 =	sadd.s32 @p1 $0x10, s0;
	s1 =	smov.u32 s16  }
0x74: {  	s1 =	smov.u32 @p1 s0;
	v3 =	vmpcnt.ones.xlane vm2  }
0x75: {  	v5 =	vor.u32 s1, v1  }
0x76: {  	v3 =	vadd.s32 v6, v3;
	[tilespmem:v4+s17+$0x0] =	vst.idx.msk vm2, v5  }
.LBB2_9:
0x77: {  	s0 =	rddreg [dreg:$0x7]  }
0x78: {  	[spmem:s0] =	stream.linear.scatter [tilespmem:s17], [sflag:$0x1], $0x150, $0x38;
	[tilespmem:$0x12130] =	vst v63  }
0x79: {  	_ =	swait.ge [sflag:s7], $0x150  }
0x7a: {  	[sflag:s7] =	ssyncset.done $0x0  }
0x7b: {  	[sflag:s7] =	ssyncadd.s32 $0xFFFFFEB0  }
0x7c: {  	[tilespmem:$0x10280] =	vst v3  }
0x7d: {  	[spmem:s11] =	stream.linear.scatter [tilespmem:s12], [sflag:$0x1], $0x10, $0x38;
	[tilespmem:$0x12130] =	vst v63  }
0x7e: {  	_ =	swait.ge [sflag:s7], $0x10  }
0x7f: {  	[sflag:s7] =	ssyncset.done $0x0  }
0x80: {  	[sflag:s7] =	ssyncadd.s32 $0xFFFFFFF0  }
0x81: {  	[bflag:$0x0] =	sbarrier.arrive $0xFFFF  }
0x82: {  	s1 =	simm.s32 $0x10580;
	s19 =	rddreg [dreg:$0x3]  }
0x83: {  	[tilespmem:s1], [sflag:$0x1] =	stream.linear.gather [spmem:s19], $0x1500, $0x38;
	[tilespmem:$0x12130] =	vst v63  }
0x84: {  	_ =	swait.ge [sflag:s7], $0x1500  }
0x85: {  	[sflag:s7] =	ssyncset.done $0x0  }
0x86: {  	[sflag:s7] =	ssyncadd.s32 $0xFFFFEB00  }
0x87: {  	s0 =	simm.s32 $0x10290;
	s30 =	rddreg [dreg:$0x4]  }
0x88: {  	[tilespmem:s0], [sflag:$0x1] =	stream.linear.gather [spmem:s30], $0x100, $0x38;
	[tilespmem:$0x12130] =	vst v63  }
0x89: {  	_ =	swait.ge [sflag:s7], $0x100  }
0x8a: {  	[sflag:s7] =	ssyncset.done $0x0  }
0x8b: {  	[sflag:s7] =	ssyncadd.s32 $0xFFFFFF00  }
0x8c: {  	v4 =	vld [tilespmem:s0+$0x0]  }
0x8d: {  	s31 =	simm.s32 $0x0  }
0x8e: {  	v5 =	vmov s31  }
0x8f: {  	vm2 =	veq.s32 v5, v1;
	v3 =	vimm.s32 $0x0;
	s1 =	simm.s32 $0x1  }
.LBB2_10:
0x90: {  	p1 =	sne.s32 s1, $0xF  }
0x91: {  	v3 =	vsel vm2, v4, v3;
	s0 =	sadd.s32 $0x10, s0;
	s3 =	smov.u32 s1;
	s1 =	sadd.s32 $0x1, s1  }
.Ltmp6:
0x92: {  	v4 =	vld [tilespmem:s0+$0x0];
	(pc) =	sbr.rel @p1 .LBB2_10-.Ltmp6, $3  }
0x93: {  	_ =	sdelay $0x1  }
0x94: {  	v5 =	vmov s3  }
0x95: {  	vm2 =	veq.s32 v5, v1  }
0x96: {  	v4 =	vsel vm2, v4, v3  }
0x97: {  	(xrf0) =	vadd.scan.msk.s32 $0xffff, v4;
	_ =	sdelay $0x3  }
.Ltmp7:
0x98: {  	_ = 	snop;
	(pc) =	sbr.rel .LBB2_12-.Ltmp7, $4  }
0x99: {  	_ = 	snop  }
0x9a: {  	v3, _, _ =	vpop (xrf0)  }
0x9b: {  	v5 =	vsub.s32 v3, v4  }
0x9c: {  	s0 =	simm.s32 $0x0;
	s1 =	simm.s32 $0x10580;
	v4 =	vxor.u32 $0x80000000, v4;
	[tilespmem:$0x11A80] =	vst v5  }
.LBB2_15:
0x9d: {  	_ =	sdelay $0x4  }
0x9e: {  	[tilespmem:v8+s22+$0x0] =	vst.idx.msk vm2, v7  }
.LBB2_16:
0x9f: {  	s0 =	sadd.s32 $0x1, s0  }
0xa0: {  	p1 =	sne.s32 s0, $0x10  }
.Ltmp8:
0xa1: {  	_ = 	snop;
	(pc) =	sbr.rel @!p1 .LBB2_17-.Ltmp8, $2  }
0xa2: {  	_ =	sdelay $0x2  }
0xa3: {  	s1 =	sadd.s32 $0x150, s1  }
.LBB2_12:
0xa4: {  	v5 =	vmov s0  }
0xa5: {  	vm2 =	veq.s32 v5, v1  }
0xa6: {  	v6 =	vnsel vm2, $0x80000000, v4  }
0xa7: {  	(xrf0) =	vmax.scan.msk.u32 $0xffff, v6;
	_ =	sdelay $0x5  }
0xa8: {  	v6, _, _ =	vpop (xrf0)  }
0xa9: {  	(v2sf) =	vpush v6, $0xF;
	_ =	sdelay $0xe  }
0xaa: {  	s3 =	spop (v2sf)  }
0xab: {  	s4 =	sadd.s32 $0x8000000F, s3  }
0xac: {  	s5 =	sand.u32 $0xF, s4  }
0xad: {  	s31 =	sshra.s32 s4, $0x1F;
	p2 =	slt.s32 s4, $0x1;
	p1 =	sne.s32 s5, $0x0  }
0xae: {  	s5 =	sshrl.u32 s31, $0x1C;
	p1 =	por !p2, !p1  }
0xaf: {  	s4 =	sadd.s32 s5, s4;
	s5 =	simm.s32 $0x1;
	p1 =	por !p1, !p1  }
0xb0: {  	s4 =	sshra.s32 s4, $0x4;
	s5 =	simm.s32 @!p1 $0x0  }
0xb1: {  	s4 =	ssub.s32 s4, s5  }
0xb2: {  	p1 =	slt.s32 s4, $0x1  }
.Ltmp9:
0xb3: {  	_ = 	snop;
	(pc) =	sbr.rel @p1 .LBB2_16-.Ltmp9, $2  }
0xb4: {  	_ =	sdelay $0x2  }
0xb5: {  	v5 =	vld.idx.msk [tilespmem:v5+s20+$0x0], $0xffff  }
0xb6: {  	_ =	sdelay $0x3  }
0xb7: {  	s5 =	simm.s32 $0x0;
	s3 =	sxor.u32 $0x80000000, s3;
	v5 =	vadd.s32 v1, v5  }
0xb8: {  	p1 =	sne.s32 s4, $0x1;
	v6 =	vmov s3;
	v7 =	vor.u32 s5, v1;
	v8 =	vadd.s32 s5, v5  }
.Ltmp10:
0xb9: {  	vm2 =	vlt.s32 v7, v6;
	vm3 =	vlt.s32 v8, $0x139F;
	(pc) =	sbr.rel @!p1 .LBB2_15-.Ltmp10, $2  }
0xba: {  	v7 =	vld [tilespmem:s1+$0x0];
	v8 =	vnsel vm3, $0x139F, v8;
	_ =	sdelay $0x2  }
0xbb: {  	s3 =	sadd.s32 $0xFFFFFFFF, s4;
	s4 =	simm.s32 $0x10;
	s5 =	smov.u32 s1  }
.LBB2_14:
0xbc: {  	v9 =	vadd.s32 s4, v5;
	v10 =	vor.u32 s4, v1;
	p1 =	sne.s32 s3, $0x1;
	s3 =	sadd.s32 $0xFFFFFFFF, s3  }
.Ltmp11:
0xbd: {  	s5 =	sadd.s32 $0x10, s5;
	vm3 =	vlt.s32 v9, $0x139F;
	[tilespmem:v8+s22+$0x0] =	vst.idx.msk vm2, v7;
	vm2 =	vlt.s32 v10, v6;
	(pc) =	sbr.rel @p1 .LBB2_14-.Ltmp11, $2  }
0xbe: {  	v7 =	vld [tilespmem:s5+$0x0];
	v8 =	vnsel vm3, $0x139F, v9;
	_ =	sdelay $0x2  }
0xbf: {  	s4 =	sadd.s32 $0x10, s4  }
.Ltmp12:
0xc0: {  	_ = 	snop;
	(pc) =	sbr.rel .LBB2_15-.Ltmp12, $1  }
0xc1: {  	_ =	sdelay $0x3  }
.LBB2_17:
0xc2: {  	v3 =	vxor.u32 $0x80000000, v3  }
0xc3: {  	(xrf0) =	vmax.scan.msk.u32 $0xffff, v3;
	_ =	sdelay $0x5  }
0xc4: {  	v3, _, _ =	vpop (xrf0)  }
0xc5: {  	(v2sf) =	vpush v3, $0xF;
	_ =	sdelay $0xe  }
0xc6: {  	s0 =	spop (v2sf)  }
0xc7: {  	s1 =	sadd.s32 $0x8000000F, s0  }
0xc8: {  	s3 =	sand.u32 $0xF, s1  }
0xc9: {  	s19 =	sshra.s32 s1, $0x1F;
	p2 =	slt.s32 s1, $0x1;
	p1 =	sne.s32 s3, $0x0  }
0xca: {  	s0 =	sxor.u32 $0x80000000, s0;
	s30 =	sshrl.u32 s19, $0x1C;
	p1 =	por !p2, !p1  }
0xcb: {  	v3 =	vadd.s32 s0, v1;
	s3 =	simm.s32 $0x1;
	s0 =	sadd.s32 s30, s1;
	p2 =	por !p1, !p1  }
0xcc: {  	s1 =	sshra.s32 s0, $0x4;
	s3 =	simm.s32 @!p2 $0x0  }
0xcd: {  	s31 =	ssub.s32 s1, s3  }
0xce: {  	p1 =	slt.s32 s31, $0x1  }
.Ltmp13:
0xcf: {  	_ = 	snop;
	(pc) =	sbr.rel @p1 .LBB2_21-.Ltmp13, $3  }
0xd0: {  	_ =	sdelay $0x1  }
0xd1: {  	s0 =	simm.s32 $0x6280  }
0xd2: {  	[tilespmem:v3+s0+$0x0] =	vst.idx.msk $0xffff, v2  }
0xd3: {  	v3 =	vld [tilespmem:s0+$0x0];
	_ =	sdelay $0x4  }
0xd4: {  	v4 =	vshll.u32 v3, $0x2  }
0xd5: {  	v5 =	vor.u32 $0x1, v4  }
0xd6: {  	v6 =	vor.u32 $0x2, v4  }
0xd7: {  	v7 =	vor.u32 $0x3, v4;
	_ =	sdelay $0x1  }
0xd8: {  	v8 =	vld.idx.msk [tilespmem:v4+s10+$0x0], $0xffff  }
0xd9: {  	v4 =	vld.idx.msk [tilespmem:v5+s10+$0x0], $0xffff  }
0xda: {  	v5 =	vld.idx.msk [tilespmem:v6+s10+$0x0], $0xffff  }
0xdb: {  	v6 =	vld.idx.msk [tilespmem:v7+s10+$0x0], $0xffff  }
0xdc: {  	p3 =	sne.s32 s31, $0x1  }
.Ltmp14:
0xdd: {  	s3 =	simm.s32 $0x7680;
	v3 =	vld.idx.msk [tilespmem:v3+s6+$0x0], $0xffff;
	(pc) =	sbr.rel @!p3 .LBB2_20-.Ltmp14, $4  }
0xde: {  	s4 =	simm.s32 $0x8A80;
	[tilespmem:s3+$0x0] =	vst v8  }
0xdf: {  	s8 =	simm.s32 $0x9E80;
	s12 =	simm.s32 $0xB280;
	s5 =	simm.s32 $0xC680;
	[tilespmem:s4+$0x0] =	vst v4  }
0xe0: {  	s19 =	simm.s32 $0xDA80;
	s30 =	sadd.s32 $0xFFFFFFFF, s31;
	s13 =	simm.s32 $0xB290;
	v4 =	vsub.f32 v6, v4;
	[tilespmem:s8+$0x0] =	vst v5;
	v5 =	vsub.f32 v5, v8  }
0xe1: {  	s18 =	simm.s32 $0xC690;
	s8 =	simm.s32 $0xDA90;
	[tilespmem:s12+$0x0] =	vst v6;
	s12 =	simm.s32 $0x9E90  }
.LBB2_19:
0xe2: {  	[tilespmem:s5+$0x0] =	vst v3;
	v3 =	vmul.f32 v4, v5;
	s0 =	sadd.s32 $0x10, s0;
	s3 =	sadd.s32 $0x10, s3;
	s4 =	sadd.s32 $0x10, s4  }
0xe3: {  	p3 =	sne.s32 s30, $0x1;
	s30 =	sadd.s32 $0xFFFFFFFF, s30;
	s5 =	smov.u32 s18  }
0xe4: {  	[tilespmem:s19+$0x0] =	vst v3;
	s19 =	smov.u32 s8  }
0xe5: {  	v3 =	vld [tilespmem:s0+$0x0];
	_ =	sdelay $0x4  }
0xe6: {  	v4 =	vshll.u32 v3, $0x2  }
0xe7: {  	v5 =	vor.u32 $0x1, v4;
	v6 =	vor.u32 $0x2, v4;
	v7 =	vor.u32 $0x3, v4;
	_ =	sdelay $0x3  }
0xe8: {  	v8 =	vld.idx.msk [tilespmem:v4+s10+$0x0], $0xffff  }
0xe9: {  	v7 =	vld.idx.msk [tilespmem:v7+s10+$0x0], $0xffff  }
0xea: {  	v4 =	vld.idx.msk [tilespmem:v5+s10+$0x0], $0xffff  }
0xeb: {  	v5 =	vld.idx.msk [tilespmem:v6+s10+$0x0], $0xffff;
	_ =	sdelay $0x1  }
0xec: {  	v3 =	vld.idx.msk [tilespmem:v3+s6+$0x0], $0xffff  }
.Ltmp15:
0xed: {  	[tilespmem:s3+$0x0] =	vst v8;
	(pc) =	sbr.rel @p3 .LBB2_19-.Ltmp15, $4  }
0xee: {  	_ = 	snop  }
0xef: {  	[tilespmem:s4+$0x0] =	vst v4;
	v4 =	vsub.f32 v7, v4  }
0xf0: {  	s8 =	sadd.s32 $0x10, s8;
	[tilespmem:s12+$0x0] =	vst v5;
	v5 =	vsub.f32 v5, v8  }
0xf1: {  	s18 =	sadd.s32 $0x10, s18;
	s12 =	sadd.s32 $0x10, s12;
	[tilespmem:s13+$0x0] =	vst v7;
	s13 =	sadd.s32 $0x10, s13  }
.LBB2_20:
0xf2: {  	v4 =	vmul.f32 v4, v5  }
0xf3: {  	[tilespmem:s5+$0x0] =	vst v3  }
0xf4: {  	s12 =	simm.s32 $0x10280;
	[tilespmem:s19+$0x0] =	vst v4  }
.LBB2_21:
0xf5: {  	s0 =	stileid.u32  }
0xf6: {  	s0 =	ssub.s32 s31, s0  }
0xf7: {  	s3 =	sadd.s32 $0xF, s0  }
0xf8: {  	s4 =	sand.u32 $0xF, s3  }
0xf9: {  	p3 =	slt.s32 s0, $0xFFFFFFF2;
	s5 =	sshra.s32 s3, $0x1F;
	p4 =	sne.s32 s4, $0x0  }
0xfa: {  	s30 =	sshrl.u32 s5, $0x1C;
	p3 =	por !p3, !p4  }
0xfb: {  	s0 =	sadd.s32 s30, s3;
	s3 =	simm.s32 $0x1;
	p3 =	por !p3, !p3  }
0xfc: {  	s0 =	sshra.s32 s0, $0x4;
	s3 =	simm.s32 @!p3 $0x0  }
0xfd: {  	s0 =	ssub.s32 s0, s3  }
0xfe: {  	p3 =	slt.s32 s0, $0x1  }
.Ltmp16:
0xff: {  	_ = 	snop;
	(pc) =	sbr.rel @p3 .LBB2_22-.Ltmp16, $1  }
0x100: {  	_ =	sdelay $0x3  }
.Ltmp17:
0x101: {  	(pc) =	sbr.rel .LBB2_24-.Ltmp17, $4  }
0x102: {  	s3 =	simm.s32 $0xFFFFFFFF  }
0x103: {  	s1 =	sshll.u32 s1, $0x4;
	s5 =	sshll.u32 s31, $0x4;
	s3 =	simm.s32 @!p2 $0x0  }
0x104: {  	s4 =	simm.s32 $0x0;
	s19 =	simm.s32 $0x0;
	s3 =	sshll.u32 s3, $0x4  }
0x105: {  	p2 =	slt.s32 s5, $0x1;
	s1 =	sadd.s32 s3, s1;
	s3 =	simm.s32 $0x0  }
.LBB2_26:
0x106: {  	v20 =	vmov v11;
	v5 =	vmov v11;
	vm2 =	vmmov vm1  }
.LBB2_35:
0x107: {  	_ =	sdelay $0x3  }
0x108: {  	v20 =	vld.idx.msk [tilespmem:v20+s24+$0x0], $0xffff;
	_ =	sdelay $0x2  }
0x109: {  	v22 =	vmax.f32 @p3 v24, $0.0e+00;
	v24 =	vmax.f32 @p3 v25, $0.0e+00  }
0x10a: {  	v16 =	vadd.f32 @p3 v16, v6;
	v59 =	vld.idx.msk [tilespmem:v5+s29+$0x0], $0xffff;
	v22 =	vmul.f32 @p3 v24, v22;
	v10 =	vmin.f32 v10, v14  }
0x10b: {  	v8 =	vmax.f32 v8, v13;
	v9 =	vmin.f32 v9, v15;
	v7 =	vmax.f32 v7, v20  }
0x10c: {  	v8 =	vsub.f32 v10, v8;
	v7 =	vsub.f32 v9, v7  }
0x10d: {  	(erf) = vrcp.f32 @p4 v26;
	v10 =	vmov @p3 v28;
	v9 =	vsub.f32 @p3 v16, v22  }
0x10e: {  	v8 =	vmax.f32 v8, $0.0e+00;
	v10 =	vpsel p3, v10, v11;
	v7 =	vmax.f32 v7, $0.0e+00  }
0x10f: {  	v13 =	vld.idx.msk @p4 [tilespmem:v27+s22+$0x0], $0xffff;
	v60 =	vadd.f32 v59, v6;
	v9 =	vadd.f32 @p3 $9.999999710e-10, v9;
	v7 =	vmul.f32 v7, v8  }
0x110: {  	vm3 =	veq.f32 @p5 v18, v3;
	vm4 =	vlt.s32 @p5 v21, v4;
	v62 =	vld.idx.msk [tilespmem:v5+s28+$0x0], $0xffff;
	v11 =	vpop @p5 (erf)  }
0x111: {  	v11 =	vmul.f32 @p5 v11, v23;
	v8 =	vld.idx.msk @p4 [tilespmem:v27+s28+$0x0], $0xffff;
	v9 =	vpsel p3, v9, v17;
	v6 =	vsub.f32 v60, v7  }
0x112: {  	v14 =	vmov @p5 v18;
	vm3 =	vmand @p5 vm3, vm4;
	(erf) = vrcp.f32 @p3 v9  }
0x113: {  	vm5 =	vgt.f32 @p5 v14, v3;
	vm4 =	vgt.f32 @p5 v11, $5.000000000e-01;
	v11 =	vld.idx.msk @p3 [tilespmem:v10+s28+$0x0], $0xffff;
	v6 =	vadd.f32 $9.999999710e-10, v6  }
0x114: {  	vm3 =	vmor @p5 vm5, vm3;
	v13 =	vpsel p4, v13, v0;
	v10 =	vld.idx.msk @p3 [tilespmem:v10+s22+$0x0], $0xffff  }
0x115: {  	vm12 =	veq.f32 v62, v3;
	vm5 =	vlt.s32 @p4 v13, v4;
	v9 =	vmovc @p4 v19;
	(erf) = vrcp.f32 v6  }
0x116: {  	vm3 =	vmand @p5 vm3, vm4;
	v8 =	vpsel p4, v8, v0;
	v9 =	vpsel p4, v9, v0  }
0x117: {  	vm2 =	vmor @p5 vm2, vm3;
	vm4 =	veq.f32 @p4 v8, v3;
	vm3 =	vgt.f32 @p4 v8, v3;
	v6 =	vpop @p4 (erf)  }
0x118: {  	vm4 =	vmand @p4 vm4, vm5;
	vm5 =	vmmov vm1;
	v6 =	vmul.f32 @p4 v6, v9  }
0x119: {  	v10 =	vpsel p3, v10, v0;
	vm3 =	vmor @p4 vm3, vm4;
	vm5 =	vmmov @p5 vm2;
	v9 =	vmovc @p3 v22  }
0x11a: {  	v5 =	vld.idx.msk [tilespmem:v5+s22+$0x0], $0xffff;
	v61 =	vpsel p3, v9, v12;
	v9 =	vpsel p3, v11, v0;
	vm4 =	vgt.f32 @p4 v6, $5.000000000e-01  }
0x11b: {  	v8 =	vpsel p3, v61, v0;
	v11 =	vpop @p3 (erf);
	vm6 =	vgt.f32 @p3 v9, v3;
	vm2 =	vmand @p4 vm3, vm4  }
0x11c: {  	vm3 =	veq.f32 @p3 v9, v3;
	vm4 =	vlt.s32 @p3 v10, v4;
	v8 =	vmul.f32 @p3 v11, v8  }
0x11d: {  	vm2 =	vmor @p4 vm5, vm2;
	vm5 =	vmmov vm1;
	vm3 =	vmand @p3 vm3, vm4  }
0x11e: {  	vm5 =	vmmov @p4 vm2;
	vm2 =	vmor @p3 vm6, vm3;
	vm3 =	vgt.f32 @p3 v8, $5.000000000e-01;
	v63 =	vpop (erf)  }
0x11f: {  	vm13 =	vlt.s32 v5, v4;
	vm2 =	vmand @p3 vm2, vm3;
	v4 =	vmul.f32 v63, v7  }
0x120: {  	vm14 =	vgt.f32 v62, v3;
	vm3 =	vmand vm12, vm13;
	vm2 =	vmor @p3 vm5, vm2  }
0x121: {  	vm5 =	vmmov vm1;
	vm3 =	vmor vm14, vm3;
	vm15 =	vgt.f32 v4, $5.000000000e-01  }
0x122: {  	vm5 =	vmmov @p3 vm2;
	vm2 =	vmand vm3, vm15  }
0x123: {  	vm2 =	vmor vm5, vm2  }
0x124: {  	vm2 =	vmneg vm2  }
.LBB2_36:
0x125: {  	vm3 =	vgt.f32 v3, $5.000000070e-02  }
0x126: {  	vm2 =	vmand vm3, vm2  }
0x127: {  	v3 =	vnsel vm2, $0xCE6E6B28, v3  }
0x128: {  	s5 =	sadd.s32 $0xEE80, s30;
	s8 =	sadd.s32 s30, s2;
	[tilespmem:s30+$0xEE80] =	vst v3  }
0x129: {  	[spmem:s8] =	stream.linear.scatter [tilespmem:s5], [sflag:$0x1], $0x10, $0x38;
	[tilespmem:$0x12130] =	vst v63  }
0x12a: {  	v3 =	vsel vm2, $0x1, v0;
	_ =	swait.ge [sflag:s7], $0x10  }
0x12b: {  	(xrf0) =	vadd.scan.msk.s32 $0xffff, v3;
	_ =	sdelay $0x5  }
0x12c: {  	v3, _, _ =	vpop (xrf0)  }
0x12d: {  	(v2sf) =	vpush v3, $0xF;
	_ =	sdelay $0x9  }
0x12e: {  	s19 =	sadd.s32 $0x1, s19  }
0x12f: {  	p3 =	sne.s32 s19, s0  }
.Ltmp18:
0x130: {  	_ = 	snop;
	(pc) =	sbr.rel @!p3 .LBB2_37-.Ltmp18, $3  }
0x131: {  	_ =	sdelay $0x1  }
0x132: {  	[sflag:s7] =	ssyncset.done $0x0;
	s30 =	spop (v2sf)  }
0x133: {  	[sflag:s7] =	ssyncadd.s32 $0xFFFFFFF0;
	s3 =	sadd.s32 s3, s30  }
.LBB2_24:
0x134: {  	s5 =	sshll.u32 s19, $0x8  }
0x135: {  	s30 =	sor.u32 s9, s5  }
.Ltmp19:
0x136: {  	v3 =	vld [tilespmem:s30+$0xC680];
	(pc) =	sbr.rel @p2 .LBB2_36-.Ltmp19, $2  }
0x137: {  	_ =	sdelay $0x2  }
0x138: {  	vm2 =	vmmov vm0  }
0x139: {  	v8 =	vld [tilespmem:s30+$0x7680]  }
0x13a: {  	v7 =	vld [tilespmem:s30+$0x8A80];
	v11 =	vmov s4  }
0x13b: {  	v10 =	vld [tilespmem:s30+$0x9E80]  }
0x13c: {  	v9 =	vld [tilespmem:s30+$0xB280];
	p6 =	sne.s32 s1, $0x1  }
.Ltmp20:
0x13d: {  	v6 =	vld [tilespmem:s30+$0xDA80];
	(pc) =	sbr.rel @!p6 .LBB2_26-.Ltmp20, $4  }
0x13e: {  	v4 =	vld [tilespmem:s30+$0x6280]  }
0x13f: {  	v14 =	vld.idx.msk [tilespmem:v11+s25+$0x0], $0xffff  }
0x140: {  	s5 =	simm.s32 $0x1;
	v13 =	vld.idx.msk [tilespmem:v11+s23+$0x0], $0xffff  }
0x141: {  	p3 =	por $0x0, $0x0;
	p4 =	por $0x0, $0x0;
	p5 =	por $0x0, $0x0;
	v15 =	vld.idx.msk [tilespmem:v11+s26+$0x0], $0xffff  }
0x142: {  	_ =	sdelay $0x2  }
0x143: {  	v5 =	vmov s5  }
0x144: {  	v12 =	vld.idx.msk [tilespmem:v11+s24+$0x0], $0xffff  }
0x145: {  	p6 =	sne.s32 s1, $0x2  }
.Ltmp21:
0x146: {  	_ = 	snop;
	(pc) =	sbr.rel @!p6 .LBB2_28-.Ltmp21, $4  }
0x147: {  	v16 =	vld.idx.msk [tilespmem:v11+s29+$0x0], $0xffff  }
0x148: {  	v17 =	vmin.f32 v10, v14;
	v14 =	vld.idx.msk [tilespmem:v5+s25+$0x0], $0xffff  }
0x149: {  	v18 =	vmax.f32 v8, v13;
	v19 =	vmin.f32 v9, v15;
	v13 =	vld.idx.msk [tilespmem:v5+s23+$0x0], $0xffff;
	v12 =	vmax.f32 v7, v12  }
0x14a: {  	s5 =	simm.s32 $0x2;
	p3 =	por $0x1, $0x1;
	v24 =	vsub.f32 v17, v18;
	v15 =	vld.idx.msk [tilespmem:v5+s26+$0x0], $0xffff;
	v25 =	vsub.f32 v19, v12  }
0x14b: {  	_ =	sdelay $0x2  }
0x14c: {  	v22 =	vmov s5  }
0x14d: {  	v17 =	vld.idx.msk [tilespmem:v5+s24+$0x0], $0xffff  }
0x14e: {  	p6 =	sne.s32 s1, $0x3;
	v12 =	vmax.f32 v24, $0.0e+00;
	v18 =	vmax.f32 v25, $0.0e+00  }
.Ltmp22:
0x14f: {  	v12 =	vmul.f32 v18, v12;
	v18 =	vadd.f32 v16, v6;
	(pc) =	sbr.rel @!p6 .LBB2_30-.Ltmp22, $4  }
0x150: {  	v16 =	vld.idx.msk [tilespmem:v5+s29+$0x0], $0xffff  }
0x151: {  	v19 =	vmin.f32 v10, v14;
	v20 =	vmax.f32 v8, v13;
	v18 =	vsub.f32 v18, v12;
	v14 =	vld.idx.msk [tilespmem:v22+s25+$0x0], $0xffff  }
0x152: {  	v21 =	vmin.f32 v9, v15;
	v24 =	vsub.f32 v19, v20;
	v13 =	vld.idx.msk [tilespmem:v22+s23+$0x0], $0xffff;
	v23 =	vmax.f32 v7, v17  }
0x153: {  	s5 =	simm.s32 $0x3;
	p4 =	por $0x1, $0x1;
	v15 =	vld.idx.msk [tilespmem:v22+s26+$0x0], $0xffff;
	v17 =	vadd.f32 $9.999999710e-10, v18;
	v25 =	vsub.f32 v21, v23  }
0x154: {  	_ =	sdelay $0x3  }
0x155: {  	v23 =	vld.idx.msk [tilespmem:v22+s24+$0x0], $0xffff  }
0x156: {  	v20 =	vmov s5;
	(erf) = vrcp.f32 v17  }
0x157: {  	v18 =	vmax.f32 v24, $0.0e+00;
	v19 =	vmax.f32 v25, $0.0e+00  }
0x158: {  	v21 =	vld.idx.msk [tilespmem:v11+s22+$0x0], $0xffff;
	p6 =	sne.s32 s1, $0x4;
	v24 =	vadd.f32 v16, v6;
	v19 =	vmul.f32 v19, v18  }
.Ltmp23:
0x159: {  	v18 =	vld.idx.msk [tilespmem:v11+s28+$0x0], $0xffff;
	(pc) =	sbr.rel @!p6 .LBB2_32-.Ltmp23, $4  }
0x15a: {  	v16 =	vld.idx.msk [tilespmem:v22+s29+$0x0], $0xffff;
	v24 =	vsub.f32 v24, v19;
	v23 =	vmax.f32 v7, v23  }
0x15b: {  	vm2 =	vmmov vm1;
	v25 =	vmin.f32 v10, v14;
	v14 =	vld.idx.msk [tilespmem:v20+s25+$0x0], $0xffff  }
0x15c: {  	v27 =	vmax.f32 v8, v13;
	v28 =	vmin.f32 v9, v15;
	v13 =	vld.idx.msk [tilespmem:v20+s23+$0x0], $0xffff;
	v26 =	vadd.f32 $9.999999710e-10, v24  }
0x15d: {  	s5 =	simm.s32 $0x4;
	p5 =	por $0x1, $0x1;
	v29 =	vmovc v20;
	v15 =	vld.idx.msk [tilespmem:v20+s26+$0x0], $0xffff;
	v24 =	vsub.f32 v25, v27;
	v25 =	vsub.f32 v28, v23;
	v23 =	vmov v12  }
.LBB2_33:
0x15e: {  	v27 =	vld.idx.msk [tilespmem:v20+s24+$0x0], $0xffff;
	v20 =	vmov s5;
	(erf) = vrcp.f32 v26;
	vm3 =	veq.f32 v18, v3;
	v26 =	vmovc v18  }
0x15f: {  	vm4 =	vlt.s32 v21, v4;
	s5 =	sadd.s32 $0x1, s5;
	v18 =	vmax.f32 v24, $0.0e+00;
	v24 =	vmax.f32 v25, $0.0e+00;
	v21 =	vpop (erf)  }
0x160: {  	v25 =	vadd.f32 v16, v6;
	p6 =	sne.s32 s1, s5;
	v24 =	vmul.f32 v24, v18;
	v18 =	vld.idx.msk [tilespmem:v5+s28+$0x0], $0xffff;
	v32 =	vmul.f32 v21, v23  }
.Ltmp24:
0x161: {  	vm5 =	vgt.f32 v26, v3;
	vm3 =	vmand vm3, vm4;
	v28 =	vmin.f32 v10, v14;
	v21 =	vld.idx.msk [tilespmem:v5+s22+$0x0], $0xffff;
	v5 =	vmovc v22;
	(pc) =	sbr.rel @p6 .LBB2_33-.Ltmp24, $4  }
0x162: {  	vm3 =	vmor vm5, vm3;
	v22 =	vmovc v29;
	v16 =	vld.idx.msk [tilespmem:v29+s29+$0x0], $0xffff;
	v25 =	vsub.f32 v25, v24;
	vm4 =	vgt.f32 v32, $5.000000000e-01;
	v29 =	vmovc v20  }
0x163: {  	v23 =	vmovc v19;
	v30 =	vmax.f32 v8, v13;
	v31 =	vmin.f32 v9, v15;
	v14 =	vld.idx.msk [tilespmem:v20+s25+$0x0], $0xffff;
	vm3 =	vmand vm3, vm4  }
0x164: {  	v19 =	vmovc v24;
	v27 =	vmax.f32 v7, v27;
	v13 =	vld.idx.msk [tilespmem:v20+s23+$0x0], $0xffff;
	v26 =	vadd.f32 $9.999999710e-10, v25;
	vm2 =	vmor vm2, vm3  }
0x165: {  	v24 =	vsub.f32 v28, v30;
	v25 =	vsub.f32 v31, v27;
	v15 =	vld.idx.msk [tilespmem:v20+s26+$0x0], $0xffff  }
.Ltmp25:
0x166: {  	(pc) =	sbr.rel .LBB2_35-.Ltmp25, $2  }
0x167: {  	_ =	sdelay $0x2  }
0x168: {  	v27 =	vmov v5;
	v28 =	vmov v22;
	v5 =	vmov v29  }
.LBB2_28:
.Ltmp26:
0x169: {  	(pc) =	sbr.rel .LBB2_35-.Ltmp26, $2  }
0x16a: {  	_ =	sdelay $0x2  }
0x16b: {  	v28 =	vmov v11;
	v20 =	vmov v5;
	vm2 =	vmmov vm1  }
.LBB2_30:
.Ltmp27:
0x16c: {  	(pc) =	sbr.rel .LBB2_35-.Ltmp27, $3  }
0x16d: {  	_ =	sdelay $0x1  }
0x16e: {  	v28 =	vmov v5;
	v20 =	vmov v22  }
0x16f: {  	v27 =	vmovc v11;
	v5 =	vmovc v22;
	v19 =	vmov v12;
	vm2 =	vmmov vm1;
	v26 =	vmov v17  }
.LBB2_32:
.Ltmp28:
0x170: {  	(pc) =	sbr.rel .LBB2_35-.Ltmp28, $2  }
0x171: {  	_ =	sdelay $0x2  }
0x172: {  	v27 =	vmovc v5;
	v23 =	vmovc v12;
	v28 =	vmov v22;
	v5 =	vmov v20;
	vm2 =	vmmov vm1  }
.LBB2_3:
.Ltmp29:
0x173: {  	(pc) =	sbr.rel .LBB2_8-.Ltmp29, $2  }
0x174: {  	_ =	sdelay $0x2  }
0x175: {  	v4 =	vimm.s32 $0x0;
	s0 =	smov.u32 s16  }
.LBB2_5:
.Ltmp30:
0x176: {  	(pc) =	sbr.rel .LBB2_8-.Ltmp30, $2  }
0x177: {  	_ =	sdelay $0x2  }
0x178: {  	v6 =	vmov v5;
	v4 =	vmov v5;
	s0 =	smov.u32 s16  }
.LBB2_38:
0x179: {  	s0 =	stileid.u32  }
0x17a: {  	p0 =	sne.s32 s0, $0x0  }
0x17b: {  	_ =	sfence.sel @p0 $0x180000  }
0x17c: {  	[bflag:$0x0] =	sbarrier.arrive @p0 $0xFFFF  }
0x17d: {  	_ =	strace @p0 $0x90000047  }
0x17e: {  	[bflag:$0x2] =	sbarrier.arrive @p0 $0xFFFF  }
0x17f: {  	_ =	shalt @p0  }
.LBB2_39:
0x180: {  	p0 =	sgt.s32 s31, $0x10  }
.Ltmp31:
0x181: {  	s3 =	simm.s32 $0xEE80;
	s0 =	simm.s32 $0x1;
	(pc) =	sbr.rel @p0 .LBB2_54-.Ltmp31, $4  }
0x182: {  	[tilespmem:s3], [sflag:$0x1] =	stream.linear.gather [spmem:s2], $0x1400, $0x38;
	[tilespmem:$0x12130] =	vst v63  }
0x183: {  	_ =	swait.ge [sflag:s0], $0x1400  }
0x184: {  	[sflag:s0] =	ssyncset.done $0x0  }
0x185: {  	[sflag:s0] =	ssyncadd.s32 $0xFFFFEC00  }
.Ltmp32:
0x186: {  	(pc) =	sbr.rel @p1 .LBB2_41-.Ltmp32, $2  }
0x187: {  	_ =	sdelay $0x2  }
0x188: {  	v2 =	vimm.f32 $-1.000000000e+09  }
0x189: {  	p2 =	sgt.s32 s31, $0x1  }
.Ltmp33:
0x18a: {  	_ = 	snop;
	(pc) =	sbr.rel @!p2 .LBB2_43-.Ltmp33, $3  }
0x18b: {  	_ =	sdelay $0x1  }
0x18c: {  	s1 =	simm.s32 $0x0  }
0x18d: {  	v0 =	vlaneseq.u32;
	s0 =	simm.s32 $0x1;
	v1 =	vld [tilespmem:s3+$0x0];
	p0 =	por $0x0, $0x0;
	p1 =	por $0x0, $0x0  }
0x18e: {  	p2 =	sgt.s32 s31, $0x2  }
.Ltmp34:
0x18f: {  	_ = 	snop;
	(pc) =	sbr.rel @!p2 .LBB2_45-.Ltmp34, $3  }
0x190: {  	_ =	sdelay $0x1  }
0x191: {  	s3 =	simm.s32 $0xEE90  }
0x192: {  	s2 =	simm.s32 $0x2;
	p0 =	por $0x1, $0x1;
	(xrf0) =	vmax.scan.msk.f32 $0xffff, v1;
	v1 =	vld [tilespmem:s3+$0x0]  }
0x193: {  	_ = 	snop  }
0x194: {  	p2 =	sgt.s32 s31, $0x3  }
.Ltmp35:
0x195: {  	_ = 	snop;
	(pc) =	sbr.rel @!p2 .LBB2_47-.Ltmp35, $3  }
0x196: {  	_ =	sdelay $0x1  }
0x197: {  	s3 =	simm.s32 $0xEEA0;
	v5 =	vmov s1;
	(xrf0) =	vmax.scan.msk.f32 $0xffff, v1;
	v3, _, _ =	vpop (xrf0)  }
0x198: {  	s1 =	simm.s32 $0x3;
	p1 =	por $0x1, $0x1;
	vm0 =	veq.s32 v5, v0;
	v1 =	vld [tilespmem:s3+$0x0];
	v4 =	vbroadcast v3, $0xF;
	v3 =	vimm.f32 $-1.000000000e+09  }
.LBB2_48:
0x199: {  	s4 =	smov.u32 s1;
	s1 =	sadd.s32 $0x1, s1  }
0x19a: {  	v3 =	vsel vm0, v4, v3;
	p2 =	slt.s32 s1, s31  }
.Ltmp36:
0x19b: {  	(pc) =	sbr.rel @p2 .LBB2_48-.Ltmp36, $4  }
0x19c: {  	_ = 	snop  }
0x19d: {  	s3 =	sadd.s32 $0x10, s3;
	(xrf0) =	vmax.scan.msk.f32 $0xffff, v1;
	v4, _, _ =	vpop (xrf0)  }
0x19e: {  	v5 =	vmov s0;
	s0 =	smov.u32 s2;
	s2 =	smov.u32 s4;
	v1 =	vld [tilespmem:s3+$0x0];
	v4 =	vbroadcast v4, $0xF  }
0x19f: {  	vm0 =	veq.s32 v5, v0  }
0x1a0: {  	s1 =	smov.u32 s2  }
.LBB2_50:
0x1a1: {  	_ =	sdelay $0x1  }
0x1a2: {  	(xrf0) =	vmax.scan.msk.f32 $0xffff, v1;
	_ =	sdelay $0x2  }
0x1a3: {  	v1, _, _ =	vpop @p0 (xrf0)  }
0x1a4: {  	v5 =	vmov @p0 s0;
	v1 =	vbroadcast @p0 v1, $0xF  }
.Ltmp37:
0x1a5: {  	v3 =	vsel @p1 vm0, v4, v3;
	vm0 =	veq.s32 @p0 v5, v0;
	(pc) =	sbr.rel .LBB2_51-.Ltmp37, $4  }
0x1a6: {  	v3 =	vpsel p1, v3, v2;
	vm0 =	vmmov @p0 vm0;
	v1 =	vpsel p0, v1, v0;
	v63, _, _ =	vpop (xrf0)  }
0x1a7: {  	v1 =	vsel @p0 vm0, v1, v3;
	v3 =	vmov s1;
	v4 =	vbroadcast v63, $0xF  }
0x1a8: {  	s20 =	rddreg [dreg:$0x6];
	vm15 =	veq.s32 v3, v0;
	v0 =	vpsel p0, v1, v2  }
0x1a9: {  	s21 =	rddreg [dreg:$0x2];
	v2 =	vsel vm15, v4, v0  }
.LBB2_54:
0x1aa: {  	s0 =	sadd.s32 $0xF, s31  }
0x1ab: {  	v0 =	vlaneseq.u32;
	s1 =	simm.s32 $0x0;
	s2 =	sshrl.u32 s0, $0x4;
	s0 =	simm.s32 $0x0  }
.LBB2_55:
0x1ac: {  	s5 =	sadd.s32 $0x0, s0  }
0x1ad: {  	p0 =	slt.s32 s5, $0x139;
	s4 =	smov.u32 s5  }
0x1ae: {  	s4 =	simm.s32 @!p0 $0x139  }
0x1af: {  	s3 =	sadd.s32 $0x1, s0;
	s4 =	sshll.u32 s4, $0x6  }
0x1b0: {  	s6 =	smov.u32 s3;
	p0 =	slt.s32 s3, $0x139;
	s4 =	sshra.s32 s4, $0x2  }
0x1b1: {  	s6 =	simm.s32 @!p0 $0x139;
	v1 =	vld [tilespmem:s4+$0xEE80]  }
0x1b2: {  	s6 =	sshll.u32 s6, $0x6  }
0x1b3: {  	s30 =	sshra.s32 s6, $0x2  }
0x1b4: {  	v2 =	vld [tilespmem:s30+$0xEE80];
	_ =	sdelay $0x1  }
0x1b5: {  	(xrf0) =	vmax.scan.msk.f32 $0xffff, v1;
	_ =	sdelay $0x2  }
0x1b6: {  	(xrf0) =	vmax.scan.msk.f32 $0xffff, v2  }
0x1b7: {  	s4 =	sadd.s32 $0x2, s0  }
0x1b8: {  	p0 =	slt.s32 s4, $0x139;
	s6 =	smov.u32 s4  }
0x1b9: {  	s6 =	simm.s32 @!p0 $0x139;
	v1, _, _ =	vpop (xrf0)  }
0x1ba: {  	s6 =	sshll.u32 s6, $0x6;
	(v2sf) =	vpush v1, $0xF  }
0x1bb: {  	s6 =	sshra.s32 s6, $0x2  }
0x1bc: {  	v2 =	vld [tilespmem:s6+$0xEE80];
	v3, _, _ =	vpop (xrf0)  }
0x1bd: {  	(v2sf) =	vpush v3, $0xF  }
0x1be: {  	s6 =	sadd.s32 $0x3, s0  }
0x1bf: {  	p0 =	slt.s32 s6, $0x139;
	s7 =	smov.u32 s6  }
0x1c0: {  	s7 =	simm.s32 @!p0 $0x139  }
0x1c1: {  	s9 =	sshll.u32 s7, $0x6;
	(xrf0) =	vmax.scan.msk.f32 $0xffff, v2  }
0x1c2: {  	s11 =	simm.s32 $0x1;
	s9 =	sshra.s32 s9, $0x2  }
0x1c3: {  	s10 =	simm.s32 $0x2;
	s8 =	simm.s32 $0x4;
	s13 =	simm.s32 $0x5;
	v2 =	vld [tilespmem:s9+$0xEE80]  }
0x1c4: {  	s12 =	simm.s32 $0x0;
	s7 =	simm.s32 $0x3;
	s9 =	sadd.s32 $0x4, s0;
	v1 =	vimm.f32 $-1.000000000e+09  }
.LBB2_56:
0x1c5: {  	p0 =	sne.s32 s13, $0xF  }
0x1c6: {  	p1 =	slt.s32 s9, $0x139;
	s14 =	smov.u32 s10;
	s15 =	smov.u32 s9  }
0x1c7: {  	s10 =	smov.u32 s7;
	s7 =	smov.u32 s8;
	s15 =	simm.s32 @!p1 $0x139;
	v3, _, _ =	vpop (xrf0)  }
.Ltmp38:
0x1c8: {  	s8 =	smov.u32 s13;
	s15 =	sshll.u32 s15, $0x6;
	(xrf0) =	vmax.scan.msk.f32 $0xffff, v2;
	(v2sf) =	vpush v3, $0xF;
	(pc) =	sbr.rel @p0 .LBB2_56-.Ltmp38, $4  }
0x1c9: {  	p1 =	slt.s32 s5, s31;
	v3 =	vmov s12;
	s15 =	sshra.s32 s15, $0x2;
	s12 =	spop (v2sf)  }
0x1ca: {  	s5 =	smov.u32 s3;
	s3 =	smov.u32 s4;
	vm0 =	veq.s32 v3, v0;
	v2 =	vld [tilespmem:s15+$0xEE80];
	s12 =	simm.s32 @!p1 $0xCE6E6B28  }
0x1cb: {  	s4 =	smov.u32 s6;
	s6 =	smov.u32 s9;
	v1 =	vsel vm0, s12, v1;
	s12 =	smov.u32 s11  }
0x1cc: {  	s13 =	sadd.s32 $0x1, s13;
	s9 =	sadd.s32 s8, s0;
	s11 =	smov.u32 s14  }
0x1cd: {  	p0 =	slt.s32 s9, $0x139;
	s13 =	smov.u32 s9  }
0x1ce: {  	s13 =	simm.s32 @!p0 $0x139  }
0x1cf: {  	s13 =	sshll.u32 s13, $0x6  }
0x1d0: {  	s13 =	sshra.s32 s13, $0x2  }
0x1d1: {  	v3 =	vld [tilespmem:s13+$0xEE80];
	_ =	sdelay $0x3  }
0x1d2: {  	(xrf0) =	vmax.scan.msk.f32 $0xffff, v2  }
0x1d3: {  	(xrf0) =	vmax.scan.msk.f32 $0xffff, v3;
	_ =	sdelay $0x3  }
0x1d4: {  	v2, _, _ =	vpop (xrf0)  }
0x1d5: {  	(v2sf) =	vpush v2, $0xF;
	v3, _, _ =	vpop (xrf0)  }
0x1d6: {  	(v2sf) =	vpush v3, $0xF;
	v2, _, _ =	vpop (xrf0)  }
0x1d7: {  	(v2sf) =	vpush v2, $0xF;
	_ =	sdelay $0xa  }
0x1d8: {  	p0 =	slt.s32 s5, s31;
	s13 =	spop (v2sf);
	v2 =	vmov s12  }
0x1d9: {  	s13 =	simm.s32 @!p0 $0xCE6E6B28;
	p0 =	slt.s32 s3, s31;
	s5 =	spop (v2sf);
	vm0 =	veq.s32 v2, v0;
	v2 =	vmov s11  }
0x1da: {  	s5 =	simm.s32 @!p0 $0xCE6E6B28;
	p0 =	slt.s32 s4, s31;
	s3 =	spop (v2sf);
	v1 =	vsel vm0, s13, v1;
	vm12 =	veq.s32 v2, v0;
	v2 =	vmov s10  }
0x1db: {  	s29 =	sshll.u32 s1, $0x6;
	s3 =	simm.s32 @!p0 $0xCE6E6B28;
	v1 =	vsel vm12, s5, v1;
	vm13 =	veq.s32 v2, v0;
	s4 =	spop (v2sf)  }
0x1dc: {  	s1 =	sadd.s32 $0x1, s1;
	p0 =	slt.s32 s9, s31;
	v1 =	vsel vm13, s3, v1;
	s3 =	spop (v2sf)  }
0x1dd: {  	s3 =	simm.s32 @!p0 $0xCE6E6B28;
	p0 =	seq.s32 s1, s2  }
.Ltmp39:
0x1de: {  	p1 =	slt.s32 s6, s31;
	v2 =	vmov s7;
	(pc) =	sbr.rel @!p0 .LBB2_55-.Ltmp39, $4  }
0x1df: {  	vm14 =	veq.s32 v2, v0;
	v2 =	vmov s8;
	s4 =	simm.s32 @!p1 $0xCE6E6B28  }
0x1e0: {  	vm15 =	veq.s32 v2, v0;
	v1 =	vsel vm14, s4, v1  }
0x1e1: {  	s30 =	sshra.s32 s29, $0x2;
	v1 =	vsel vm15, s3, v1  }
0x1e2: {  	s0 =	sadd.s32 $0x10, s0;
	[tilespmem:s30+$0x11B00] =	vst v1  }
0x1e3: {  	v1 =	vimm.s32 $0x3020100  }
0x1e4: {  	v2 =	vunpack.c.0.s8.s32 v1  }
0x1e5: {  	v0 =	vlaneseq.u32;
	s3 =	sadd.s32 $0xFFFFFFFF, s2;
	vm0 =	vcmask $0xF00;
	s4 =	simm.s32 $0x0;
	vm1 =	vmmov $0xf;
	s20 =	rddreg [dreg:$0x6]  }
0x1e6: {  	s5 =	simm.s32 $0x1400;
	s6 =	simm.s32 $0x11C80;
	s21 =	rddreg [dreg:$0x2];
	v1 =	vor.u32 $0x80000000, v0;
	v2 =	vnsel vm0, $0x3, v2;
	vm0 =	vcmask $0x1310  }
.LBB2_59:
0x1e7: {  	s10 =	simm.s32 $0x11B00  }
0x1e8: {  	p3 =	sne.s32 s2, $0x1;
	v3 =	vld [tilespmem:s10+$0x0]  }
.Ltmp40:
0x1e9: {  	_ = 	snop;
	(pc) =	sbr.rel @!p3 .LBB2_60-.Ltmp40, $3  }
0x1ea: {  	_ =	sdelay $0x1  }
0x1eb: {  	s0 =	simm.f32 $-1.000000000e+09;
	s7 =	simm.s32 $0x11B10  }
0x1ec: {  	p1 =	por $0x0, $0x0;
	p2 =	por $0x0, $0x0;
	p0 =	por $0x0, $0x0;
	(xrf0) =	vmax.scan.msk.f32 $0xffff, v3  }
0x1ed: {  	v3 =	vld [tilespmem:s7+$0x0];
	p3 =	sne.s32 s3, $0x1  }
.Ltmp41:
0x1ee: {  	_ = 	snop;
	(pc) =	sbr.rel @!p3 .LBB2_62-.Ltmp41, $2  }
0x1ef: {  	_ =	sdelay $0x2  }
0x1f0: {  	s1 =	sadd.s32 $0xFFFFFFFF, s3;
	s8 =	simm.s32 $0x11B20;
	p1 =	por $0x1, $0x1;
	(xrf0) =	vmax.scan.msk.f32 $0xffff, v3;
	v3, _, _ =	vpop (xrf0)  }
0x1f1: {  	(v2sf) =	vpush v3, $0xF;
	_ =	sdelay $0x5  }
0x1f2: {  	v4 =	vld [tilespmem:s8+$0x0];
	p3 =	sne.s32 s1, $0x1  }
.Ltmp42:
0x1f3: {  	_ = 	snop;
	(pc) =	sbr.rel @!p3 .LBB2_64-.Ltmp42, $2  }
0x1f4: {  	_ =	sdelay $0x2  }
0x1f5: {  	s1 =	sadd.s32 $0xFFFFFFFF, s1;
	s8 =	simm.s32 $0x11B30;
	p2 =	por $0x1, $0x1;
	(xrf0) =	vmax.scan.msk.f32 $0xffff, v4;
	v3, _, _ =	vpop (xrf0)  }
0x1f6: {  	(v2sf) =	vpush v3, $0xF;
	_ =	sdelay $0x3  }
0x1f7: {  	v4 =	vld [tilespmem:s8+$0x0];
	p4 =	sne.s32 s1, $0x1  }
.Ltmp43:
0x1f8: {  	_ = 	snop;
	(pc) =	sbr.rel @!p4 .LBB2_66-.Ltmp43, $3  }
0x1f9: {  	_ =	sdelay $0x1  }
0x1fa: {  	s8 =	sadd.s32 $0xFFFFFFFF, s1  }
0x1fb: {  	s9 =	simm.s32 $0x11B40;
	p3 =	por $0x1, $0x1;
	s1 =	simm.f32 $-1.000000000e+09;
	(xrf0) =	vmax.scan.msk.f32 $0xffff, v4;
	v3, _, _ =	vpop (xrf0)  }
.LBB2_67:
0x1fc: {  	v4 =	vld [tilespmem:s9+$0x0];
	p4 =	sne.s32 s8, $0x1;
	s8 =	sadd.s32 $0xFFFFFFFF, s8;
	(v2sf) =	vpush v3, $0xF  }
.Ltmp44:
0x1fd: {  	(pc) =	sbr.rel @p4 .LBB2_67-.Ltmp44, $4  }
0x1fe: {  	_ = 	snop  }
0x1ff: {  	s11 =	spop (v2sf)  }
0x200: {  	s1 =	smax.f32 s1, s11  }
0x201: {  	s9 =	sadd.s32 $0x10, s9;
	(xrf0) =	vmax.scan.msk.f32 $0xffff, v4;
	v3, _, _ =	vpop (xrf0)  }
.LBB2_68:
0x202: {  	(v2sf) =	vpush @p1 v3, $0xF;
	_ =	sdelay $0x4  }
0x203: {  	v3, _, _ =	vpop (xrf0)  }
0x204: {  	(v2sf) =	vpush v3, $0xF;
	_ =	sdelay $0x4  }
0x205: {  	s8 =	spop @p3 (v2sf)  }
0x206: {  	s1 =	smax.f32 @p3 s1, s8;
	s8 =	simm.f32 $-1.000000000e+09  }
0x207: {  	s8 =	smov.u32 @p3 s1;
	s1 =	spop @p2 (v2sf)  }
0x208: {  	s1 =	smax.f32 @p2 s8, s1;
	s8 =	simm.f32 $-1.000000000e+09  }
0x209: {  	s8 =	smov.u32 @p2 s1;
	s1 =	spop @p1 (v2sf)  }
0x20a: {  	s1 =	smax.f32 @p1 s8, s1  }
0x20b: {  	s0 =	smov.u32 @p1 s1;
	p1 =	sne.s32 s2, $0x1  }
.Ltmp45:
0x20c: {  	_ = 	snop;
	(pc) =	sbr.rel @!p1 .LBB2_69-.Ltmp45, $3  }
0x20d: {  	_ =	sdelay $0x1  }
0x20e: {  	s9 =	simm.s32 $0x1;
	s31 =	spop (v2sf)  }
0x20f: {  	v3 =	vld [tilespmem:s10+$0x0];
	s8 =	simm.s32 $0x0;
	s1 =	simm.s32 $0x100000;
	s0 =	smax.f32 s0, s31  }
0x210: {  	p2 =	sne.s32 s2, $0x2  }
.Ltmp46:
0x211: {  	_ = 	snop;
	(pc) =	sbr.rel @!p2 .LBB2_71-.Ltmp46, $2  }
0x212: {  	_ =	sdelay $0x2  }
0x213: {  	s10 =	simm.s32 $0x2;
	p1 =	por $0x1, $0x1;
	(xrf0) =	vmax.scan.msk.f32 $0xffff, v3;
	v3 =	vld [tilespmem:s7+$0x0]  }
0x214: {  	_ = 	snop  }
0x215: {  	p3 =	sne.s32 s2, $0x3  }
.Ltmp47:
0x216: {  	_ = 	snop;
	(pc) =	sbr.rel @!p3 .LBB2_73-.Ltmp47, $3  }
0x217: {  	_ =	sdelay $0x1  }
0x218: {  	s7 =	simm.s32 $0x11B20;
	v4, _, _ =	vpop (xrf0)  }
0x219: {  	s11 =	simm.s32 $0x3;
	p2 =	por $0x1, $0x1;
	(xrf0) =	vmax.scan.msk.f32 $0xffff, v3;
	v3 =	vld [tilespmem:s7+$0x0];
	(v2sf) =	vpush v4, $0xF  }
0x21a: {  	_ =	sdelay $0x4  }
0x21b: {  	v4, _, _ =	vpop (xrf0)  }
0x21c: {  	(v2sf) =	vpush v4, $0xF;
	_ =	sdelay $0x4  }
0x21d: {  	p4 =	sne.s32 s2, $0x4  }
.Ltmp48:
0x21e: {  	_ = 	snop;
	(pc) =	sbr.rel @!p4 .LBB2_75-.Ltmp48, $3  }
0x21f: {  	_ =	sdelay $0x1  }
0x220: {  	s7 =	simm.s32 $0x11B30  }
0x221: {  	s16 =	simm.s32 $0x4;
	p3 =	por $0x1, $0x1;
	(xrf0) =	vmax.scan.msk.f32 $0xffff, v3;
	v3 =	vld [tilespmem:s7+$0x0]  }
0x222: {  	_ =	sdelay $0x4  }
0x223: {  	v4, _, _ =	vpop (xrf0)  }
0x224: {  	(v2sf) =	vpush v4, $0xF  }
0x225: {  	p5 =	sne.s32 s2, $0x5  }
.Ltmp49:
0x226: {  	_ = 	snop;
	(pc) =	sbr.rel @!p5 .LBB2_77-.Ltmp49, $3  }
0x227: {  	_ =	sdelay $0x1  }
0x228: {  	s12 =	simm.s32 $0x11B40  }
0x229: {  	s7 =	simm.s32 $0x5;
	p4 =	por $0x1, $0x1;
	(xrf0) =	vmax.scan.msk.f32 $0xffff, v3;
	v3 =	vld [tilespmem:s12+$0x0]  }
0x22a: {  	_ =	sdelay $0x4  }
0x22b: {  	v4, _, _ =	vpop (xrf0)  }
0x22c: {  	(v2sf) =	vpush v4, $0xF  }
0x22d: {  	p6 =	sne.s32 s2, $0x6  }
.Ltmp50:
0x22e: {  	s12 =	spop (v2sf);
	(pc) =	sbr.rel @!p6 .LBB2_79-.Ltmp50, $4  }
0x22f: {  	p0 =	seq.f32 s12, s0  }
0x230: {  	s13 =	simm.s32 $0x0;
	s17 =	simm.s32 $0x6;
	s18 =	simm.s32 $0x11B50  }
0x231: {  	s14 =	simm.s32 $0x1;
	s15 =	simm.s32 $0x2;
	s13 =	simm.s32 @!p0 $0x100000  }
0x232: {  	s12 =	simm.s32 $0x100000;
	p0 =	por $0x1, $0x1;
	(xrf0) =	vmax.scan.msk.f32 $0xffff, v3;
	p5 =	sgt.s32 s13, $0x100000;
	v3 =	vld [tilespmem:s18+$0x0]  }
.LBB2_80:
0x233: {  	s19 =	smov.u32 s12;
	s12 =	smov.u32 s13  }
0x234: {  	s12 =	smov.u32 @p5 s19  }
0x235: {  	s19 =	smov.u32 s7;
	s7 =	smov.u32 s17;
	s17 =	sadd.s32 $0x1, s17  }
0x236: {  	p6 =	sne.s32 s2, s17  }
.Ltmp51:
0x237: {  	s13 =	spop (v2sf);
	(pc) =	sbr.rel @p6 .LBB2_80-.Ltmp51, $4  }
0x238: {  	p5 =	seq.f32 s13, s0  }
0x239: {  	s18 =	sadd.s32 $0x10, s18;
	s13 =	smov.u32 s14;
	(xrf0) =	vmax.scan.msk.f32 $0xffff, v3;
	v4, _, _ =	vpop (xrf0)  }
0x23a: {  	s14 =	smov.u32 s15;
	s15 =	smov.u32 s11;
	v3 =	vld [tilespmem:s18+$0x0];
	(v2sf) =	vpush v4, $0xF;
	s13 =	simm.s32 @!p5 $0x100000  }
0x23b: {  	s11 =	smov.u32 s16;
	s16 =	smov.u32 s19;
	p5 =	slt.s32 s12, s13  }
0x23c: {  	s17 =	smov.u32 s11;
	s11 =	smov.u32 s16  }
.LBB2_82:
0x23d: {  	_ =	sdelay $0x1  }
0x23e: {  	(xrf0) =	vmax.scan.msk.f32 $0xffff, v3;
	v3, _, _ =	vpop @p1 (xrf0)  }
0x23f: {  	s16 =	spop @p4 (v2sf);
	(v2sf) =	vpush @p1 v3, $0xF  }
0x240: {  	p6 =	seq.f32 @p4 s16, s0  }
0x241: {  	p5 =	por !p5, !p0  }
0x242: {  	s12 =	smov.u32 @p5 s13;
	s13 =	simm.s32 $0x100000;
	p5 =	por !p6, !p4  }
0x243: {  	s13 =	smov.u32 @p0 s12;
	s14 =	simm.s32 @p5 $0x100000  }
0x244: {  	s12 =	smov.u32 @p3 s15;
	s15 =	spop @p3 (v2sf);
	p0 =	slt.s32 @p4 s13, s14;
	v3, _, _ =	vpop (xrf0)  }
0x245: {  	p5 =	seq.f32 @p3 s15, s0;
	s15 =	smov.u32 s8;
	p0 =	por @!p4 p0, p0;
	(v2sf) =	vpush v3, $0xF  }
0x246: {  	s14 =	smov.u32 @p4 s14;
	s15 =	smov.u32 @p3 s12;
	p0 =	por !p0, !p4  }
0x247: {  	s12 =	simm.s32 $0x100000;
	s13 =	smov.u32 @p0 s14;
	p0 =	por !p5, !p3  }
0x248: {  	s10 =	smov.u32 @p1 s11;
	s15 =	simm.s32 @p0 $0x100000;
	s12 =	smov.u32 @p4 s13  }
0x249: {  	s16 =	smov.u32 @p2 s17;
	p0 =	slt.s32 @p3 s12, s15;
	s11 =	spop @p2 (v2sf)  }
0x24a: {  	s9 =	smov.u32 @p2 s16;
	p0 =	por @!p3 p0, p0;
	p4 =	seq.f32 @p2 s11, s0  }
0x24b: {  	s9 =	smov.u32 @p2 s9;
	p0 =	por !p0, !p3;
	s11 =	smov.u32 @p3 s15  }
0x24c: {  	s12 =	smov.u32 @p0 s11;
	s11 =	simm.s32 $0x100000;
	p0 =	por !p4, !p2  }
0x24d: {  	s11 =	smov.u32 @p3 s12;
	s9 =	simm.s32 @p0 $0x100000  }
0x24e: {  	s8 =	smov.u32 @p1 s10;
	p0 =	slt.s32 @p2 s11, s9;
	s10 =	spop @p1 (v2sf)  }
0x24f: {  	p0 =	por @!p2 p0, p0;
	p3 =	seq.f32 @p1 s10, s0  }
0x250: {  	s8 =	smov.u32 @p1 s8;
	s9 =	smov.u32 @p2 s9;
	p0 =	por !p0, !p2  }
0x251: {  	s11 =	smov.u32 @p0 s9;
	s9 =	simm.s32 $0x100000;
	p0 =	por !p3, !p1  }
0x252: {  	s9 =	smov.u32 @p2 s11;
	s8 =	simm.s32 @p0 $0x100000  }
0x253: {  	p0 =	slt.s32 @p1 s9, s8  }
0x254: {  	p0 =	por @!p1 p0, p0;
	s26 =	spop (v2sf)  }
0x255: {  	s8 =	smov.u32 @p1 s8;
	p0 =	por !p0, !p1;
	p2 =	seq.f32 s26, s0  }
0x256: {  	s9 =	smov.u32 @p0 s8  }
0x257: {  	s7 =	simm.s32 @!p2 $0x100000;
	s1 =	smov.u32 @p1 s9  }
0x258: {  	p0 =	slt.s32 s1, s7  }
0x259: {  	s7 =	smov.u32 @p0 s1  }
0x25a: {  	s1 =	smov.u32 s3;
	p0 =	slt.s32 s7, s3  }
0x25b: {  	s1 =	smov.u32 @p0 s7  }
0x25c: {  	s1 =	sshll.u32 s1, $0x4  }
0x25d: {  	v3 =	vld [tilespmem:s1+$0x11B00];
	_ =	sdelay $0x4  }
0x25e: {  	vm2 =	veq.f32 v3, s0  }
0x25f: {  	v3 =	vnsel vm2, $0x80100000, v1  }
0x260: {  	(xrf0) =	vmin.scan.msk.u32 $0xffff, v3;
	_ =	sdelay $0x5  }
0x261: {  	v3, _, _ =	vpop (xrf0)  }
0x262: {  	(v2sf) =	vpush v3, $0xF;
	_ =	sdelay $0xe  }
0x263: {  	s28 =	spop (v2sf)  }
0x264: {  	s7 =	sxor.u32 $0x80000000, s28  }
0x265: {  	s8 =	sadd.s32 s1, s7  }
0x266: {  	p0 =	slt.s32 s8, $0x139  }
0x267: {  	s8 =	simm.s32 @!p0 $0x139  }
0x268: {  	s8 =	sshll.u32 s8, $0x4  }
0x269: {  	v3 =	vld [tilespmem:s8+$0xEE80]  }
0x26a: {  	v4 =	vld [tilespmem:s8+$0x6280];
	_ =	sdelay $0x4  }
0x26b: {  	vm2 =	veq.f32 v3, s0;
	v5 =	vxor.u32 $0x80000000, v4  }
0x26c: {  	v5 =	vnsel vm2, $0xC0000000, v5  }
0x26d: {  	(xrf0) =	vmin.scan.msk.u32 $0xffff, v5;
	_ =	sdelay $0x5  }
0x26e: {  	v5, _, _ =	vpop (xrf0)  }
0x26f: {  	(v2sf) =	vpush v5, $0xF;
	_ =	sdelay $0xe  }
0x270: {  	s29 =	spop (v2sf)  }
0x271: {  	s30 =	sxor.u32 $0x80000000, s29  }
0x272: {  	vm3 =	veq.s32 v4, s30  }
0x273: {  	vm2 =	vmand vm2, vm3  }
0x274: {  	v3 =	vsel vm2, $0xCE6E6B28, v3  }
0x275: {  	(xrf0) =	vmax.scan.msk.f32 $0xffff, v3;
	_ =	sdelay $0x2  }
0x276: {  	p0 =	sgt.f32 s0, $-1.000000000e+08;
	[tilespmem:s8+$0xEE80] =	vst v3  }
0x277: {  	s8 =	sshll.u32 s29, $0x2;
	v3 =	vld [tilespmem:s1+$0x11B00]  }
0x278: {  	s8 =	simm.s32 @!p0 $0x4E20  }
0x279: {  	v61 =	vor.u32 s8, v2;
	v60, _, _ =	vpop (xrf0)  }
0x27a: {  	v6 =	vmov s7;
	v4 =	vbroadcast v60, $0xF  }
0x27b: {  	vm2 =	veq.s32 v6, v0  }
0x27c: {  	v3 =	vsel vm2, v4, v3  }
0x27d: {  	s31 =	smul.u32 $0x5, s4;
	[tilespmem:s1+$0x11B00] =	vst v3  }
0x27e: {  	s4 =	sadd.s32 $0x1, s4;
	v3 =	vld.idx.msk [tilespmem:v61+s5+$0x0], $0xffff  }
0x27f: {  	v62 =	vadd.s32 s31, v0;
	s0 =	simm.s32 @!p0 $0x0;
	p0 =	sne.s32 s4, $0x64  }
.Ltmp52:
0x280: {  	_ = 	snop;
	(pc) =	sbr.rel @p0 .LBB2_59-.Ltmp52, $4  }
.Ltmp53:
0x281: {  	v63 =	vmov s0;
	(pc) =	sbr.rel @!p0 .LBB2_83-.Ltmp53, $4  }
0x282: {  	v5 =	vnsel vm0, $0x0, v63  }
0x283: {  	v3 =	vsel vm1, v3, v5  }
0x284: {  	[tilespmem:v62+s6+$0x0] =	vst.idx.msk $0x1f, v3  }
0x285: {  	_ = 	snop  }
.LBB2_60:
.Ltmp54:
0x286: {  	(pc) =	sbr.rel .LBB2_68-.Ltmp54, $2  }
0x287: {  	_ =	sdelay $0x2  }
0x288: {  	s1 =	simm.f32 $-1.000000000e+09;
	p3 =	por $0x0, $0x0  }
.LBB2_69:
.Ltmp55:
0x289: {  	(pc) =	sbr.rel .LBB2_82-.Ltmp55, $3  }
0x28a: {  	_ =	sdelay $0x1  }
0x28b: {  	s12 =	simm.s32 $0x100000;
	s7 =	simm.s32 $0x0;
	p1 =	por $0x0, $0x0  }
0x28c: {  	p2 =	por $0x0, $0x0;
	p3 =	por $0x0, $0x0;
	p4 =	por $0x0, $0x0  }
.LBB2_62:
.Ltmp56:
0x28d: {  	(pc) =	sbr.rel .LBB2_68-.Ltmp56, $2  }
0x28e: {  	_ =	sdelay $0x2  }
0x28f: {  	s1 =	simm.f32 $-1.000000000e+09;
	p3 =	por $0x0, $0x0  }
.LBB2_71:
.Ltmp57:
0x290: {  	(pc) =	sbr.rel .LBB2_82-.Ltmp57, $3  }
0x291: {  	_ =	sdelay $0x1  }
0x292: {  	s12 =	simm.s32 $0x100000;
	s7 =	simm.s32 $0x1;
	s11 =	simm.s32 $0x0  }
0x293: {  	p2 =	por $0x0, $0x0;
	p3 =	por $0x0, $0x0;
	p4 =	por $0x0, $0x0  }
.LBB2_64:
.Ltmp58:
0x294: {  	(pc) =	sbr.rel .LBB2_68-.Ltmp58, $2  }
0x295: {  	_ =	sdelay $0x2  }
0x296: {  	s1 =	simm.f32 $-1.000000000e+09;
	p3 =	por $0x0, $0x0  }
.LBB2_73:
.Ltmp59:
0x297: {  	(pc) =	sbr.rel .LBB2_82-.Ltmp59, $3  }
0x298: {  	_ =	sdelay $0x1  }
0x299: {  	s12 =	simm.s32 $0x100000;
	s7 =	simm.s32 $0x2;
	s17 =	simm.s32 $0x0  }
0x29a: {  	s11 =	simm.s32 $0x1;
	p3 =	por $0x0, $0x0;
	p4 =	por $0x0, $0x0  }
.LBB2_66:
.Ltmp60:
0x29b: {  	(pc) =	sbr.rel .LBB2_68-.Ltmp60, $2  }
0x29c: {  	_ =	sdelay $0x2  }
0x29d: {  	s1 =	simm.f32 $-1.000000000e+09  }
.LBB2_75:
.Ltmp61:
0x29e: {  	(pc) =	sbr.rel .LBB2_82-.Ltmp61, $3  }
0x29f: {  	_ =	sdelay $0x1  }
0x2a0: {  	s12 =	simm.s32 $0x100000;
	s7 =	simm.s32 $0x3;
	s15 =	simm.s32 $0x0  }
0x2a1: {  	s17 =	simm.s32 $0x1;
	s11 =	simm.s32 $0x2;
	p4 =	por $0x0, $0x0  }
.LBB2_77:
.Ltmp62:
0x2a2: {  	(pc) =	sbr.rel .LBB2_82-.Ltmp62, $3  }
0x2a3: {  	_ =	sdelay $0x1  }
0x2a4: {  	s12 =	simm.s32 $0x100000;
	s7 =	simm.s32 $0x4;
	_ =	sdelay $0x1  }
0x2a5: {  	s14 =	simm.s32 $0x0;
	s15 =	simm.s32 $0x1;
	s17 =	simm.s32 $0x2  }
.LBB2_79:
.Ltmp63:
0x2a6: {  	(pc) =	sbr.rel .LBB2_82-.Ltmp63, $3  }
0x2a7: {  	_ =	sdelay $0x1  }
0x2a8: {  	s12 =	simm.s32 $0x100000;
	s14 =	simm.s32 $0x1  }
0x2a9: {  	s15 =	simm.s32 $0x2;
	s17 =	simm.s32 $0x3;
	s11 =	simm.s32 $0x4  }
.LBB2_41:
0x2aa: {  	s20 =	rddreg [dreg:$0x6]  }
0x2ab: {  	s21 =	rddreg [dreg:$0x2]  }
.LBB2_51:
0x2ac: {  	(xrf0) =	vmax.scan.msk.f32 $0xffff, v2;
	_ =	sdelay $0x5  }
0x2ad: {  	v1, _, _ =	vpop (xrf0)  }
0x2ae: {  	v3 =	vbroadcast v1, $0xF;
	_ =	sdelay $0x1  }
0x2af: {  	vm0 =	veq.f32 v2, v3  }
0x2b0: {  	v4 =	vmctz.xlane vm0;
	_ =	sdelay $0x1  }
0x2b1: {  	v0 =	vlaneseq.u32;
	v5 =	vshll.u32 v4, $0x4  }
0x2b2: {  	v6 =	vor.u32 v0, v5;
	_ =	sdelay $0x3  }
0x2b3: {  	s0 =	simm.s32 $0xEE80  }
0x2b4: {  	v7 =	vld.idx.msk [tilespmem:v6+s0+$0x0], $0xffff;
	_ =	sdelay $0x3  }
0x2b5: {  	(v2sf) =	vpush v1, $0xF  }
0x2b6: {  	vm0 =	veq.f32 v7, v3  }
0x2b7: {  	v1 =	vmctz.xlane vm0;
	_ =	sdelay $0x1  }
0x2b8: {  	vm0 =	veq.s32 v1, v0  }
0x2b9: {  	v7 =	vsel vm0, $0xCE6E6B28, v7  }
0x2ba: {  	v1 =	vadd.s32 v5, v1;
	(xrf0) =	vmax.scan.msk.f32 $0xffff, v7;
	_ =	sdelay $0x3  }
0x2bb: {  	s1 =	simm.s32 $0x6280;
	v3 =	vimm.s32 $0x3020100  }
0x2bc: {  	v3 =	vunpack.c.0.s8.s32 v3;
	v5 =	vld.idx.msk [tilespmem:v1+s1+$0x0], $0xffff  }
0x2bd: {  	vm0 =	vcmask $0xF00;
	v8, _, _ =	vpop (xrf0)  }
0x2be: {  	v1 =	vnsel vm0, $0x3, v3;
	v3 =	vbroadcast v8, $0xF  }
0x2bf: {  	vm1 =	veq.s32 v4, v0;
	vm0 =	vcmask $0x300;
	v8 =	vimm.s32 $0x4E23  }
0x2c0: {  	s3 =	spop (v2sf);
	v4 =	vsel vm0, $0x4E20, v8;
	vm0 =	vcmask $0x704;
	v3 =	vsel vm1, v3, v2  }
0x2c1: {  	p0 =	sgt.f32 s3, $-1.000000000e+08;
	v2 =	vsel vm0, $0x4E21, v4;
	vm0 =	vcmask $0xB08;
	v4 =	vshll.u32 v5, $0x2;
	(xrf0) =	vmax.scan.msk.f32 $0xffff, v3  }
0x2c2: {  	v2 =	vsel vm0, $0x4E22, v2;
	v4 =	vor.u32 v1, v4  }
0x2c3: {  	v4 =	vpsel p0, v4, v2;
	_ =	sdelay $0x2  }
0x2c4: {  	s3 =	simm.s32 @!p0 $0x0  }
0x2c5: {  	s2 =	simm.s32 $0x1400;
	[tilespmem:v6+s0+$0x0] =	vst.idx.msk $0xffff, v7;
	v7 =	vmov s3;
	v6, _, _ =	vpop (xrf0)  }
0x2c6: {  	s6 =	simm.s32 $0x0;
	vm0 =	vcmask $0x1310;
	v8 =	vld.idx.msk [tilespmem:v4+s2+$0x0], $0xffff;
	v5 =	vbroadcast v6, $0xF;
	(v2sf) =	vpush v6, $0xF  }
0x2c7: {  	v9 =	vnsel vm0, $0x0, v7;
	v7 =	vadd.s32 s6, v0  }
0x2c8: {  	vm1 =	veq.f32 v3, v5  }
0x2c9: {  	v4 =	vmctz.xlane vm1  }
0x2ca: {  	vm1 =	vmmov $0xf  }
0x2cb: {  	s4 =	simm.s32 $0x5;
	s5 =	simm.s32 $0xA;
	s3 =	simm.s32 $0x11C80;
	v8 =	vsel vm1, v8, v9;
	v6 =	vshll.u32 v4, $0x4  }
.LBB2_52:
0x2cc: {  	p0 =	seq.s32 s5, $0x1EF;
	v9 =	vor.u32 v0, v6;
	[tilespmem:v7+s3+$0x0] =	vst.idx.msk $0x1f, v8;
	s6 =	smov.u32 s5;
	s5 =	sadd.s32 $0x5, s5  }
0x2cd: {  	_ =	sdelay $0x3  }
0x2ce: {  	v7 =	vld.idx.msk [tilespmem:v9+s0+$0x0], $0xffff;
	_ =	sdelay $0x3  }
0x2cf: {  	s7 =	spop (v2sf);
	_ =	sdelay $0x1  }
0x2d0: {  	vm2 =	veq.f32 v7, v5  }
0x2d1: {  	v5 =	vmctz.xlane vm2;
	_ =	sdelay $0x1  }
0x2d2: {  	v6 =	vadd.s32 v6, v5;
	vm2 =	veq.s32 v5, v0  }
0x2d3: {  	v5 =	vsel vm2, $0xCE6E6B28, v7  }
0x2d4: {  	(xrf0) =	vmax.scan.msk.f32 $0xffff, v5;
	_ =	sdelay $0x2  }
0x2d5: {  	v6 =	vld.idx.msk [tilespmem:v6+s1+$0x0], $0xffff  }
0x2d6: {  	[tilespmem:v9+s0+$0x0] =	vst.idx.msk $0xffff, v5;
	_ =	sdelay $0x1  }
0x2d7: {  	v5, _, _ =	vpop (xrf0)  }
0x2d8: {  	v5 =	vbroadcast v5, $0xF  }
0x2d9: {  	vm2 =	veq.s32 v4, v0  }
0x2da: {  	p1 =	sgt.f32 s7, $-1.000000000e+08;
	v4 =	vshll.u32 v6, $0x2;
	v3 =	vsel vm2, v5, v3  }
0x2db: {  	v4 =	vor.u32 v1, v4;
	(xrf0) =	vmax.scan.msk.f32 $0xffff, v3  }
0x2dc: {  	s7 =	simm.s32 @!p1 $0x0;
	v4 =	vpsel p1, v4, v2  }
0x2dd: {  	v6 =	vmov s7;
	_ =	sdelay $0x3  }
0x2de: {  	v7, _, _ =	vpop (xrf0);
	v8 =	vld.idx.msk [tilespmem:v4+s2+$0x0], $0xffff  }
0x2df: {  	v5 =	vbroadcast v7, $0xF;
	(v2sf) =	vpush v7, $0xF  }
.Ltmp64:
0x2e0: {  	v7 =	vadd.s32 s4, v0;
	s4 =	smov.u32 s6;
	(pc) =	sbr.rel @!p0 .LBB2_52-.Ltmp64, $4  }
0x2e1: {  	vm2 =	veq.f32 v3, v5  }
0x2e2: {  	v4 =	vmctz.xlane vm2  }
0x2e3: {  	v9 =	vnsel vm0, $0x0, v6  }
0x2e4: {  	v8 =	vsel vm1, v8, v9;
	v6 =	vshll.u32 v4, $0x4  }
0x2e5: {  	v3 =	vor.u32 v0, v6;
	_ =	sdelay $0x3  }
0x2e6: {  	[tilespmem:v7+s3+$0x0] =	vst.idx.msk $0x1f, v8  }
0x2e7: {  	v4 =	vld.idx.msk [tilespmem:v3+s0+$0x0], $0xffff;
	_ =	sdelay $0x4  }
0x2e8: {  	vm2 =	veq.f32 v4, v5  }
0x2e9: {  	v5 =	vmctz.xlane vm2;
	_ =	sdelay $0x1  }
0x2ea: {  	v59 =	vadd.s32 v6, v5;
	_ =	sdelay $0x4  }
0x2eb: {  	v6 =	vld.idx.msk [tilespmem:v59+s1+$0x0], $0xffff;
	_ =	sdelay $0x3  }
0x2ec: {  	s1 =	spop (v2sf)  }
0x2ed: {  	p0 =	sgt.f32 s1, $-1.000000000e+08;
	v6 =	vshll.u32 v6, $0x2  }
0x2ee: {  	v1 =	vor.u32 v1, v6  }
0x2ef: {  	v1 =	vpsel p0, v1, v2;
	_ =	sdelay $0x1  }
0x2f0: {  	vm2 =	veq.s32 v5, v0  }
0x2f1: {  	v60 =	vsel vm2, $0xCE6E6B28, v4  }
0x2f2: {  	[tilespmem:v3+s0+$0x0] =	vst.idx.msk $0xffff, v60  }
0x2f3: {  	(xrf0) =	vmax.scan.msk.f32 $0xffff, v60;
	v1 =	vld.idx.msk [tilespmem:v1+s2+$0x0], $0xffff  }
0x2f4: {  	v61 =	vadd.s32 s4, v0  }
0x2f5: {  	s1 =	simm.s32 @!p0 $0x0  }
0x2f6: {  	v62 =	vmov s1  }
0x2f7: {  	v2 =	vnsel vm0, $0x0, v62  }
0x2f8: {  	v1 =	vsel vm1, v1, v2  }
0x2f9: {  	v63, _, _ =	vpop (xrf0);
	[tilespmem:v61+s3+$0x0] =	vst.idx.msk $0x1f, v1  }
.LBB2_83:
0x2fa: {  	s0 =	simm.s32 $0x0;
	s1 =	simm.s32 $0x11C80;
	s30 =	simm.s32 $0x1  }
0x2fb: {  	[hbm4b:s21+s0] =	stream.linear.scatter [tilespmem:s1], [sflag:$0x1], $0x200, $0x38;
	[tilespmem:$0x12130] =	vst v63  }
0x2fc: {  	_ =	swait.ge [sflag:s30], $0x200  }
0x2fd: {  	[sflag:s30] =	ssyncset.done $0x0  }
0x2fe: {  	[sflag:s30] =	ssyncadd.s32 $0xFFFFFE00  }
0x2ff: {  	_ =	sfence.sel $0x180000  }
0x300: {  	[bflag:$0x0] =	sbarrier.arrive $0xFFFF  }
0x301: {  	_ =	strace $0x90000047  }
0x302: {  	s31 =	sadd.s32 $0x100000, s20;
	[bflag:$0x2] =	sbarrier.arrive $0xFFFF  }
0x303: {  	[sflag:s31] =	ssyncadd.tile.s32 $0x1;
	_ =	shalt  }
.LBB2_43:
.Ltmp65:
0x304: {  	(pc) =	sbr.rel .LBB2_50-.Ltmp65, $2  }
0x305: {  	_ =	sdelay $0x2  }
0x306: {  	v3 =	vimm.f32 $-1.000000000e+09  }
.LBB2_45:
.Ltmp66:
0x307: {  	(pc) =	sbr.rel .LBB2_50-.Ltmp66, $2  }
0x308: {  	_ =	sdelay $0x2  }
0x309: {  	v3 =	vimm.f32 $-1.000000000e+09;
	s0 =	simm.s32 $0x0;
	s1 =	simm.s32 $0x1  }
.LBB2_47:
.Ltmp67:
0x30a: {  	(pc) =	sbr.rel .LBB2_50-.Ltmp67, $2  }
0x30b: {  	_ =	sdelay $0x2  }
0x30c: {  	v3 =	vimm.f32 $-1.000000000e+09;
	s1 =	simm.s32 $0x2  }
.Lfunc_end2:
_tile_overlayer_lowered:
.L_overlay_start_2:
0x30d: {  	(tag) =	ssettag $0x2  }
0x30e: {  	s0 =	rddreg [dreg:$0x0];
	s2 =	stileid.u32  }
0x30f: {  	s1 =	rddreg [dreg:$0x1];
	p0 =	sne.s32 s2, $0x0  }
0x310: {  	s3 =	rddreg [dreg:$0x2];
	[bflag:$0x3] =	sbarrier.arrive $0xFFFF;
	s2 =	simm.s32 @!p0 $0x1C01  }
0x311: {  	[timem:s3], [sflag:s2] =	dma.local @!p0 [hbm:s0], s1  }
0x312: {  	s0 =	simm.s32 @!p0 $0x1  }
0x313: {  	_ =	swait.ge @!p0 [sflag:s0], s1  }
0x314: {  	s1 =	ssub.s32 @!p0 $0x0, s1;
	[sflag:s0] =	ssyncset.done @!p0 $0x0  }
0x315: {  	[sflag:s0] =	ssyncadd.s32 @!p0 s1  }
0x316: {  	[bflag:$0x3] =	sbarrier.arrive $0xFFFF  }
0x317: {  	_ =	shalt  }

</sc_bundles>
